<compile_context>
chip_gen: v7x
topology: tpu7x:2x2x1
jax: 0.10.2.dev20260603
libtpu: 0.0.44.dev20260713+nightly
codegen_flags: <defaults>
</compile_context>

<pallas_src>
import functools

import jax
import jax.numpy as jnp
from jax import lax
from jax.experimental import pallas as pl
from jax.experimental.pallas import tpu as pltpu
from jax.experimental.pallas import tpu_sc as plsc

IMAGE_W = 608
IMAGE_H = 608
TOP_N = 1000
MIN_SCORE = 0.05
NMS_THR = 0.5
MAX_DET = 100

_CHUNK = 8192


def _sig(x):
    return 1.0 / (1.0 + jnp.exp(-x))


def _decode_body(cls_ref, aux_ref, score_ref, rest_ref):
    ccls = cls_ref[0, 0]
    aux = aux_ref[0, 0]
    m = jnp.max(ccls, axis=0)
    amax = jnp.argmax(ccls, axis=0).astype(jnp.float32)
    score = _sig(m) * _sig(aux[9])
    stride = aux[8]
    xyx = (_sig(aux[0]) + aux[4]) * stride
    xyy = (_sig(aux[1]) + aux[5]) * stride
    whx = jnp.exp(aux[2]) * aux[6] / stride
    why = jnp.exp(aux[3]) * aux[7] / stride
    x1f = xyx - 0.5 * whx
    y1f = xyy - 0.5 * why
    x2f = whx + x1f
    y2f = why + y1f
    x1 = jnp.maximum(x1f.astype(jnp.int32), 0).astype(jnp.float32)
    y1 = jnp.maximum(y1f.astype(jnp.int32), 0).astype(jnp.float32)
    x2 = jnp.minimum(x2f.astype(jnp.int32), IMAGE_W - 1).astype(jnp.float32)
    y2 = jnp.minimum(y2f.astype(jnp.int32), IMAGE_H - 1).astype(jnp.float32)
    score_ref[0, 0, 0, :] = score
    rest_ref[0, 0, 0, 0, :] = amax
    rest_ref[1, 0, 0, 0, :] = x1
    rest_ref[2, 0, 0, 0, :] = y1
    rest_ref[3, 0, 0, 0, :] = x2
    rest_ref[4, 0, 0, 0, :] = y2


def _threshold_body(score_ref, eff_ref):
    score = score_ref[...]
    B, L, N = score.shape
    bits = jax.lax.bitcast_convert_type(score, jnp.int32)
    idx = jax.lax.broadcasted_iota(jnp.int32, (B, L, N), 2)

    def bit_step(_, carry):
        lo, hi = carry
        mid = jax.lax.shift_right_logical(lo + hi + 1, 1)
        cnt = jnp.sum((bits >= mid[:, :, None]).astype(jnp.int32), axis=-1)
        ok = cnt >= TOP_N
        return jnp.where(ok, mid, lo), jnp.where(ok, hi, mid - 1)

    lo0 = jnp.zeros((B, L), jnp.int32)
    hi0 = jnp.full((B, L), 0x3F800000, jnp.int32)
    t, _ = jax.lax.fori_loop(0, 31, bit_step, (lo0, hi0))
    gt = bits > t[:, :, None]
    eq = bits == t[:, :, None]
    need = TOP_N - jnp.sum(gt.astype(jnp.int32), axis=-1)

    def idx_step(_, carry):
        lo, hi = carry
        mid = jax.lax.shift_right_logical(lo + hi, 1)
        cnt = jnp.sum((eq & (idx < mid[:, :, None])).astype(jnp.int32), axis=-1)
        ok = cnt >= need
        return jnp.where(ok, lo, mid + 1), jnp.where(ok, mid, hi)

    lo0i = jnp.zeros((B, L), jnp.int32)
    hi0i = jnp.full((B, L), N, jnp.int32)
    _, icut = jax.lax.fori_loop(0, 15, idx_step, (lo0i, hi0i))
    mask = gt | (eq & (idx < icut[:, :, None]))
    eff_ref[...] = jnp.where(mask & (score > MIN_SCORE), score, -1.0)


def _nms_body(planes_ref, s_ref, c_ref, b_ref, scr_ref, ha_ref):
    _, B, W = planes_ref.shape
    cls_p = planes_ref[1]
    x1 = planes_ref[2]
    y1 = planes_ref[3]
    x2 = planes_ref[4]
    y2 = planes_ref[5]
    scr_ref[...] = planes_ref[0]
    ha_ref[...] = 0.5 * ((x2 - x1) * (y2 - y1))
    lane = jax.lax.broadcasted_iota(jnp.int32, (B, W), 1)

    def step(k, _):
        masked = scr_ref[...]
        m = jnp.max(masked, axis=1)
        sel = jnp.argmax(masked, axis=1)
        found = m > 0.0
        onehot = lane == sel[:, None]
        neg = jnp.float32(-1e30)
        sx1 = jnp.max(jnp.where(onehot, x1, neg), axis=1)
        sy1 = jnp.max(jnp.where(onehot, y1, neg), axis=1)
        sx2 = jnp.max(jnp.where(onehot, x2, neg), axis=1)
        sy2 = jnp.max(jnp.where(onehot, y2, neg), axis=1)
        sc = jnp.max(jnp.where(onehot, cls_p, neg), axis=1)
        s_ref[pl.ds(k, 1), :] = jnp.where(found, m, -1.0)[None, :]
        c_ref[pl.ds(k, 1), :] = jnp.where(found, sc, -1.0)[None, :]
        box = jnp.stack([sx1, sy1, sx2, sy2], axis=-1)
        b_ref[pl.ds(k, 1), :, :] = jnp.where(found[:, None], box, -1.0)[None]
        sarea_eps = (sx2 - sx1) * (sy2 - sy1) + jnp.float32(1e-9)
        xx1 = jnp.maximum(x1, sx1[:, None])
        yy1 = jnp.maximum(y1, sy1[:, None])
        xx2 = jnp.minimum(x2, sx2[:, None])
        yy2 = jnp.minimum(y2, sy2[:, None])
        iw = jnp.maximum(xx2 - xx1, 0.0)
        ih = jnp.maximum(yy2 - yy1, 0.0)
        inter = iw * ih
        rhs = ha_ref[...] + (0.5 * sarea_eps)[:, None]
        sup = 1.5 * inter > rhs
        kill = (sup | onehot) & found[:, None]
        scr_ref[...] = jnp.where(kill, -1.0, masked)
        return 0

    jax.lax.fori_loop(0, MAX_DET, step, 0)


_SEG = 1024


def _compact_sc(eff, rest, B, L, N):
    n_vecs = N // 16
    seg_vecs = _SEG // 16
    mesh = plsc.VectorSubcoreMesh(core_axis_name="c", subcore_axis_name="s")

    @functools.partial(
        pl.kernel,
        mesh=mesh,
        out_type=jax.ShapeDtypeStruct((6, B, L * _SEG), jnp.float32),
        scratch_types=(
            [pltpu.VMEM((N,), jnp.float32) for _ in range(6)]
            + [pltpu.VMEM((_SEG,), jnp.float32) for _ in range(6)]
        ),
        compiler_params=pltpu.CompilerParams(needs_layout_passes=False),
    )
    def body(eff_hbm, rest_hbm, out_hbm,
             ie, ic, ix1, iy1, ix2, iy2, oe, oc, ox1, oy1, ox2, oy2):
        wid = lax.axis_index("s") * 2 + lax.axis_index("c")

        @pl.when(wid < B * L)
        def _():
            b = wid // L
            l = wid % L
            pltpu.sync_copy(eff_hbm.at[b, l], ie)
            pltpu.sync_copy(rest_hbm.at[0, b, l], ic)
            pltpu.sync_copy(rest_hbm.at[1, b, l], ix1)
            pltpu.sync_copy(rest_hbm.at[2, b, l], iy1)
            pltpu.sync_copy(rest_hbm.at[3, b, l], ix2)
            pltpu.sync_copy(rest_hbm.at[4, b, l], iy2)
            neg1 = jnp.full((16,), -1.0, jnp.float32)

            def init(i, _):
                sl = pl.ds(i * 16, 16)
                oe[sl] = neg1
                oc[sl] = neg1
                ox1[sl] = neg1
                oy1[sl] = neg1
                ox2[sl] = neg1
                oy2[sl] = neg1
                return 0

            lax.fori_loop(0, seg_vecs, init, 0)

            def step(i, off):
                sl = pl.ds(i * 16, 16)
                e = ie[sl]
                mask = e > 0.0
                pc = jnp.cumsum(mask.astype(jnp.int32))
                dst = off + pc - 1
                plsc.store_scatter(oe, [dst], e, mask=mask)
                plsc.store_scatter(oc, [dst], ic[sl], mask=mask)
                plsc.store_scatter(ox1, [dst], ix1[sl], mask=mask)
                plsc.store_scatter(oy1, [dst], iy1[sl], mask=mask)
                plsc.store_scatter(ox2, [dst], ix2[sl], mask=mask)
                plsc.store_scatter(oy2, [dst], iy2[sl], mask=mask)
                return off + plsc.all_reduce_population_count(mask)

            lax.fori_loop(0, n_vecs, step, jnp.zeros((16,), jnp.int32))
            seg = pl.ds(l * _SEG, _SEG)
            pltpu.sync_copy(oe, out_hbm.at[0, b, seg])
            pltpu.sync_copy(oc, out_hbm.at[1, b, seg])
            pltpu.sync_copy(ox1, out_hbm.at[2, b, seg])
            pltpu.sync_copy(oy1, out_hbm.at[3, b, seg])
            pltpu.sync_copy(ox2, out_hbm.at[4, b, seg])
            pltpu.sync_copy(oy2, out_hbm.at[5, b, seg])

    return body(eff, rest)


def kernel(obj_heads, reg_heads, cls_heads, batch_anchors):
    L, B, N, C = cls_heads.shape
    W = L * N
    nc = N // _CHUNK

    cls_t = cls_heads.transpose(0, 1, 3, 2)
    aux = jnp.concatenate(
        [
            reg_heads.transpose(0, 1, 3, 2),
            batch_anchors.transpose(0, 1, 3, 2),
            obj_heads.transpose(0, 1, 3, 2),
        ],
        axis=2,
    )

    score, rest = pl.pallas_call(
        _decode_body,
        grid=(L, B, nc),
        in_specs=[
            pl.BlockSpec((1, 1, C, _CHUNK), lambda l, b, c: (l, b, 0, c)),
            pl.BlockSpec((1, 1, 10, _CHUNK), lambda l, b, c: (l, b, 0, c)),
        ],
        out_specs=[
            pl.BlockSpec((1, 1, 1, _CHUNK), lambda l, b, c: (b, l, 0, c)),
            pl.BlockSpec((5, 1, 1, 1, _CHUNK), lambda l, b, c: (0, b, l, 0, c)),
        ],
        out_shape=[
            jax.ShapeDtypeStruct((B, L, 1, N), jnp.float32),
            jax.ShapeDtypeStruct((5, B, L, 1, N), jnp.float32),
        ],
    )(cls_t, aux)

    eff = pl.pallas_call(
        _threshold_body,
        out_shape=jax.ShapeDtypeStruct((B, L, N), jnp.float32),
    )(score.reshape(B, L, N))

    comp = _compact_sc(eff, rest.reshape(5, B, L, N), B, L, N)
    Wc = L * _SEG

    s_t, c_t, b_t = pl.pallas_call(
        _nms_body,
        out_shape=[
            jax.ShapeDtypeStruct((MAX_DET, B), jnp.float32),
            jax.ShapeDtypeStruct((MAX_DET, B), jnp.float32),
            jax.ShapeDtypeStruct((MAX_DET, B, 4), jnp.float32),
        ],
        scratch_shapes=[
            pltpu.VMEM((B, Wc), jnp.float32),
            pltpu.VMEM((B, Wc), jnp.float32),
        ],
    )(comp)

    return s_t.T, c_t.T, b_t.transpose(1, 0, 2)

# --- scband reference (transcript-rebuilt; emitter-appended) ---
"""Pipeline reference for scband-yolov3-decoder-19645180412545 (READ-ONLY COPY).

The authoritative reference and input builder live on the scoring server;
editing this copy changes nothing except your own understanding.
"""

import jax, jax.numpy as jnp
import numpy as np

IMAGE_W = 608
IMAGE_H = 608
TOP_N = 1000
MIN_SCORE = 0.05
NMS_THR = 0.5
MAX_DET = 100


def setup_inputs(seed: int = 0):
    key = jax.random.key(seed)
    k1, k2, k3, k4 = jax.random.split(key, 4)
    L, B, N, C = 3, 8, 16384, 80
    return {
        "obj_heads": jax.random.normal(k1, (L, B, N, 1), dtype=jnp.float32),
        "reg_heads": jax.random.normal(k2, (L, B, N, 4), dtype=jnp.float32),
        "cls_heads": jax.random.normal(k3, (L, B, N, C), dtype=jnp.float32),
        "batch_anchors": jax.random.uniform(k4, (L, B, N, 5), dtype=jnp.float32, minval=0.05, maxval=1.0),
    }


def _decode(obj, reg, cls, anch):
    obj_s = jax.nn.sigmoid(obj[..., 0])
    cls_s = jax.nn.sigmoid(cls)
    xy = (jax.nn.sigmoid(reg[..., 0:2]) + anch[..., 0:2]) * anch[..., 4:5]
    wh = jnp.exp(reg[..., 2:4]) * anch[..., 2:4] / anch[..., 4:5]
    x1y1 = xy - 0.5 * wh
    x2y2 = wh + x1y1
    boxes = jnp.concatenate([x1y1, x2y2], axis=-1).astype(jnp.int32)
    boxes = jnp.stack([
        jnp.maximum(boxes[..., 0], 0),
        jnp.maximum(boxes[..., 1], 0),
        jnp.minimum(boxes[..., 2], IMAGE_W - 1),
        jnp.minimum(boxes[..., 3], IMAGE_H - 1),
    ], axis=-1)
    scores = jnp.max(cls_s, axis=-1) * obj_s
    classes = jnp.argmax(cls_s, axis=-1)
    return scores, classes, boxes


def _nms(scores, classes, boxes):
    m = scores > MIN_SCORE
    order = jnp.argsort(jnp.where(m, -scores, jnp.inf), stable=True)
    s = scores[order]
    c = classes[order].astype(jnp.float32)
    bx = boxes[order]
    valid = m[order]
    n = s.shape[0]
    x1, y1, x2, y2 = bx[:, 0], bx[:, 1], bx[:, 2], bx[:, 3]
    areas = (x2 - x1) * (y2 - y1)
    idxs = jnp.arange(n)

    def body(i, state):
        suppressed, keep = state
        alive = jnp.logical_not(suppressed[i])
        keep = keep.at[i].set(alive)
        xx1 = jnp.maximum(x1[i], x1)
        yy1 = jnp.maximum(y1[i], y1)
        xx2 = jnp.minimum(x2[i], x2)
        yy2 = jnp.minimum(y2[i], y2)
        inter = jnp.maximum(0.0, xx2 - xx1) * jnp.maximum(0.0, yy2 - yy1)
        iou = inter / (areas[i] + areas - inter + 1e-9)
        suppressed = suppressed | (alive & (idxs > i) & (iou > NMS_THR))
        return suppressed, keep

    suppressed0 = jnp.logical_not(valid)
    keep0 = jnp.zeros(n, dtype=bool)
    _, keep = jax.lax.fori_loop(0, n, body, (suppressed0, keep0))
    num = jnp.minimum(jnp.sum(keep), MAX_DET)
    take = jnp.argsort(jnp.logical_not(keep), stable=True)[:MAX_DET]
    fill = jnp.arange(MAX_DET) < num
    out_s = jnp.where(fill, s[take], -1.0)
    out_c = jnp.where(fill, c[take], -1.0)
    out_b = jnp.where(fill[:, None], bx[take], -1.0)
    return out_s, out_c, out_b


def reference(obj_heads, reg_heads, cls_heads, batch_anchors):
    L, B = obj_heads.shape[0], obj_heads.shape[1]
    fs, fc, fb = [], [], []
    for l in range(L):
        scores, classes, boxes = _decode(obj_heads[l], reg_heads[l], cls_heads[l], batch_anchors[l])
        if scores.shape[1] >= TOP_N:
            scores, idx = jax.lax.top_k(scores, TOP_N)
            classes = jnp.take_along_axis(classes, idx, axis=1)
            boxes = jnp.take_along_axis(boxes, idx[..., None], axis=1)
        fs.append(scores)
        fc.append(classes)
        fb.append(boxes)
    S = jnp.concatenate(fs, axis=1)
    C = jnp.concatenate(fc, axis=1)
    Bx = jnp.concatenate(fb, axis=1).astype(jnp.float32)
    out_s, out_c, out_b = jax.vmap(_nms)(S, C, Bx)
    return out_s, out_c, out_b

if __name__ == "__main__":
    import jax
    _d = setup_inputs()
    print(jax.jit(kernel)(*tuple(_d.values())))

</pallas_src>

<mosaic_0001>
#map = affine_map<(d0, d1) -> (0, 0, 0)>
#map1 = affine_map<(d0, d1) -> (0, 0, 0, 0)>
module attributes {stable_mosaic.version = 14 : i64} {
  func.func @body(%arg0: i32, %arg1: i32, %arg2: memref<8x3x16384xf32, #tpu.memory_space<hbm>>, %arg3: memref<5x8x3x16384xf32, #tpu.memory_space<hbm>>, %arg4: memref<6x8x3072xf32, #tpu.memory_space<hbm>>, %arg5: memref<16384xf32, #tpu.memory_space<vmem>>, %arg6: memref<16384xf32, #tpu.memory_space<vmem>>, %arg7: memref<16384xf32, #tpu.memory_space<vmem>>, %arg8: memref<16384xf32, #tpu.memory_space<vmem>>, %arg9: memref<16384xf32, #tpu.memory_space<vmem>>, %arg10: memref<16384xf32, #tpu.memory_space<vmem>>, %arg11: memref<1024xf32, #tpu.memory_space<vmem>>, %arg12: memref<1024xf32, #tpu.memory_space<vmem>>, %arg13: memref<1024xf32, #tpu.memory_space<vmem>>, %arg14: memref<1024xf32, #tpu.memory_space<vmem>>, %arg15: memref<1024xf32, #tpu.memory_space<vmem>>, %arg16: memref<1024xf32, #tpu.memory_space<vmem>>) attributes {dimension_semantics = [#tpu.dimension_semantics<core_parallel>, #tpu.dimension_semantics<subcore_parallel>], iteration_bounds = array<i64: 2, 16>, scalar_prefetch = 0 : i64, scratch_operands = 12 : i64, tpu.core_type = #tpu.core_type<sc_vector_subcore>, window_params = [{transform_indices = #map}, {transform_indices = #map1}, {transform_indices = #map}]} {
    %mul3A = arith.constant 2 : i32
    %mul3A_0 = arith.muli %arg1, %mul3A : i32
    %add3A = arith.addi %mul3A_0, %arg0 : i32
    %lt3A = arith.constant 24 : i32
    %lt3A_1 = arith.cmpi slt, %add3A, %lt3A : i32
    %convert_element_type3A = arith.extui %lt3A_1 : i1 to i32
    %cond3A = arith.constant 0 : i32
    %cond3A_2 = arith.cmpi ne, %convert_element_type3A, %cond3A : i32
    scf.if %cond3A_2 {
      %jit3A = arith.constant 3 : i32
      %div3A = arith.divsi %add3A, %jit3A : i32
      %sign3A = arith.constant 0 : i32
      %sign3A_3 = arith.cmpi sgt, %add3A, %sign3A : i32
      %sign3A_4 = arith.extui %sign3A_3 : i1 to i32
      %sign3A_5 = arith.constant 0 : i32
      %sign3A_6 = arith.cmpi slt, %add3A, %sign3A_5 : i32
      %sign3A_7 = arith.extui %sign3A_6 : i1 to i32
      %sign3A_8 = arith.subi %sign3A_4, %sign3A_7 : i32
      %sign3A_9 = arith.constant 0 : i32
      %sign3A_10 = arith.cmpi sgt, %jit3A, %sign3A_9 : i32
      %sign3A_11 = arith.extui %sign3A_10 : i1 to i32
      %sign3A_12 = arith.constant 0 : i32
      %sign3A_13 = arith.cmpi slt, %jit3A, %sign3A_12 : i32
      %sign3A_14 = arith.extui %sign3A_13 : i1 to i32
      %sign3A_15 = arith.subi %sign3A_11, %sign3A_14 : i32
      %ne3A = arith.cmpi ne, %sign3A_8, %sign3A_15 : i32
      %rem3A = arith.remsi %add3A, %jit3A : i32
      %ne3A_16 = arith.constant 0 : i32
      %ne3A_17 = arith.cmpi ne, %rem3A, %ne3A_16 : i32
      %and3A = arith.andi %ne3A, %ne3A_17 : i1
      %sub3A = arith.constant 1 : i32
      %sub3A_18 = arith.subi %div3A, %sub3A : i32
      %select_n3A = arith.select %and3A, %sub3A_18, %div3A : i32
      %jit3A_19 = arith.constant 3 : i32
      %eq3A = arith.constant 0 : i32
      %eq3A_20 = arith.cmpi eq, %jit3A_19, %eq3A : i32
      %jit3A_21 = arith.constant 1 : i32
      %select_n3A_22 = arith.select %eq3A_20, %jit3A_21, %jit3A_19 : i32
      %rem3A_23 = arith.remsi %add3A, %select_n3A_22 : i32
      %ne3A_24 = arith.constant 0 : i32
      %ne3A_25 = arith.cmpi ne, %rem3A_23, %ne3A_24 : i32
      %lt3A_26 = arith.constant 0 : i32
      %lt3A_27 = arith.cmpi slt, %rem3A_23, %lt3A_26 : i32
      %lt3A_28 = arith.constant 0 : i32
      %lt3A_29 = arith.cmpi slt, %select_n3A_22, %lt3A_28 : i32
      %ne3A_30 = arith.xori %lt3A_27, %lt3A_29 : i1
      %and3A_31 = arith.andi %ne3A_30, %ne3A_25 : i1
      %add3A_32 = arith.addi %rem3A_23, %select_n3A_22 : i32
      %select_n3A_33 = arith.select %and3A_31, %add3A_32, %rem3A_23 : i32
      "tpu.region"() ({
        %run_scoped3A_61 = tpu.sem_alloc : memref<!tpu.dma_semaphore, #tpu.memory_space<semaphore_mem>>
        %dma_start3A = arith.constant 0 : i32
        %dma_start3A_62 = tpu.memref_slice %arg2[%select_n3A, %select_n3A_33, %dma_start3A] : memref<8x3x16384xf32, #tpu.memory_space<hbm>> -> memref<1x1x16384xf32, #tpu.memory_space<hbm>>
        %dma_start3A_63 = tpu.memref_squeeze %dma_start3A_62 : memref<1x1x16384xf32, #tpu.memory_space<hbm>> -> memref<16384xf32, #tpu.memory_space<hbm>>
        %dma_start3A_64 = arith.constant 0 : i32
        %dma_start3A_65 = tpu.memref_slice %arg2[%select_n3A, %select_n3A_33, %dma_start3A_64] : memref<8x3x16384xf32, #tpu.memory_space<hbm>> -> memref<1x1x16384xf32, #tpu.memory_space<hbm>>
        %dma_start3A_66 = tpu.memref_squeeze %dma_start3A_65 : memref<1x1x16384xf32, #tpu.memory_space<hbm>> -> memref<16384xf32, #tpu.memory_space<hbm>>
        tpu.enqueue_dma source(%dma_start3A_66 : memref<16384xf32, #tpu.memory_space<hbm>>) target(%arg5 : memref<16384xf32, #tpu.memory_space<vmem>>) target_semaphore(%run_scoped3A_61 : memref<!tpu.dma_semaphore, #tpu.memory_space<semaphore_mem>>)
        %dma_wait3A = arith.constant 0 : i32
        %dma_wait3A_67 = tpu.memref_slice %arg2[%select_n3A, %select_n3A_33, %dma_wait3A] : memref<8x3x16384xf32, #tpu.memory_space<hbm>> -> memref<1x1x16384xf32, #tpu.memory_space<hbm>>
        %dma_wait3A_68 = tpu.memref_squeeze %dma_wait3A_67 : memref<1x1x16384xf32, #tpu.memory_space<hbm>> -> memref<16384xf32, #tpu.memory_space<hbm>>
        %dma_wait3A_69 = arith.constant 0 : i32
        %dma_wait3A_70 = tpu.memref_slice %arg2[%select_n3A, %select_n3A_33, %dma_wait3A_69] : memref<8x3x16384xf32, #tpu.memory_space<hbm>> -> memref<1x1x16384xf32, #tpu.memory_space<hbm>>
        %dma_wait3A_71 = tpu.memref_squeeze %dma_wait3A_70 : memref<1x1x16384xf32, #tpu.memory_space<hbm>> -> memref<16384xf32, #tpu.memory_space<hbm>>
        tpu.wait_dma2 semaphore(%run_scoped3A_61 : memref<!tpu.dma_semaphore, #tpu.memory_space<semaphore_mem>>) src(%dma_wait3A_71 : memref<16384xf32, #tpu.memory_space<hbm>>) dst(%arg5 : memref<16384xf32, #tpu.memory_space<vmem>>)
        tpu.yield
      }) : () -> ()
      %run_scoped3A = arith.constant 0 : i32
      "tpu.region"() ({
        %run_scoped3A_61 = tpu.sem_alloc : memref<!tpu.dma_semaphore, #tpu.memory_space<semaphore_mem>>
        %dma_start3A = arith.constant 0 : i32
        %dma_start3A_62 = tpu.memref_slice %arg3[%run_scoped3A, %select_n3A, %select_n3A_33, %dma_start3A] : memref<5x8x3x16384xf32, #tpu.memory_space<hbm>> -> memref<1x1x1x16384xf32, #tpu.memory_space<hbm>>
        %dma_start3A_63 = tpu.memref_squeeze %dma_start3A_62 : memref<1x1x1x16384xf32, #tpu.memory_space<hbm>> -> memref<16384xf32, #tpu.memory_space<hbm>>
        %dma_start3A_64 = arith.constant 0 : i32
        %dma_start3A_65 = tpu.memref_slice %arg3[%run_scoped3A, %select_n3A, %select_n3A_33, %dma_start3A_64] : memref<5x8x3x16384xf32, #tpu.memory_space<hbm>> -> memref<1x1x1x16384xf32, #tpu.memory_space<hbm>>
        %dma_start3A_66 = tpu.memref_squeeze %dma_start3A_65 : memref<1x1x1x16384xf32, #tpu.memory_space<hbm>> -> memref<16384xf32, #tpu.memory_space<hbm>>
        tpu.enqueue_dma source(%dma_start3A_66 : memref<16384xf32, #tpu.memory_space<hbm>>) target(%arg6 : memref<16384xf32, #tpu.memory_space<vmem>>) target_semaphore(%run_scoped3A_61 : memref<!tpu.dma_semaphore, #tpu.memory_space<semaphore_mem>>)
        %dma_wait3A = arith.constant 0 : i32
        %dma_wait3A_67 = tpu.memref_slice %arg3[%run_scoped3A, %select_n3A, %select_n3A_33, %dma_wait3A] : memref<5x8x3x16384xf32, #tpu.memory_space<hbm>> -> memref<1x1x1x16384xf32, #tpu.memory_space<hbm>>
        %dma_wait3A_68 = tpu.memref_squeeze %dma_wait3A_67 : memref<1x1x1x16384xf32, #tpu.memory_space<hbm>> -> memref<16384xf32, #tpu.memory_space<hbm>>
        %dma_wait3A_69 = arith.constant 0 : i32
        %dma_wait3A_70 = tpu.memref_slice %arg3[%run_scoped3A, %select_n3A, %select_n3A_33, %dma_wait3A_69] : memref<5x8x3x16384xf32, #tpu.memory_space<hbm>> -> memref<1x1x1x16384xf32, #tpu.memory_space<hbm>>
        %dma_wait3A_71 = tpu.memref_squeeze %dma_wait3A_70 : memref<1x1x1x16384xf32, #tpu.memory_space<hbm>> -> memref<16384xf32, #tpu.memory_space<hbm>>
        tpu.wait_dma2 semaphore(%run_scoped3A_61 : memref<!tpu.dma_semaphore, #tpu.memory_space<semaphore_mem>>) src(%dma_wait3A_71 : memref<16384xf32, #tpu.memory_space<hbm>>) dst(%arg6 : memref<16384xf32, #tpu.memory_space<vmem>>)
        tpu.yield
      }) : () -> ()
      %run_scoped3A_34 = arith.constant 1 : i32
      "tpu.region"() ({
        %run_scoped3A_61 = tpu.sem_alloc : memref<!tpu.dma_semaphore, #tpu.memory_space<semaphore_mem>>
        %dma_start3A = arith.constant 0 : i32
        %dma_start3A_62 = tpu.memref_slice %arg3[%run_scoped3A_34, %select_n3A, %select_n3A_33, %dma_start3A] : memref<5x8x3x16384xf32, #tpu.memory_space<hbm>> -> memref<1x1x1x16384xf32, #tpu.memory_space<hbm>>
        %dma_start3A_63 = tpu.memref_squeeze %dma_start3A_62 : memref<1x1x1x16384xf32, #tpu.memory_space<hbm>> -> memref<16384xf32, #tpu.memory_space<hbm>>
        %dma_start3A_64 = arith.constant 0 : i32
        %dma_start3A_65 = tpu.memref_slice %arg3[%run_scoped3A_34, %select_n3A, %select_n3A_33, %dma_start3A_64] : memref<5x8x3x16384xf32, #tpu.memory_space<hbm>> -> memref<1x1x1x16384xf32, #tpu.memory_space<hbm>>
        %dma_start3A_66 = tpu.memref_squeeze %dma_start3A_65 : memref<1x1x1x16384xf32, #tpu.memory_space<hbm>> -> memref<16384xf32, #tpu.memory_space<hbm>>
        tpu.enqueue_dma source(%dma_start3A_66 : memref<16384xf32, #tpu.memory_space<hbm>>) target(%arg7 : memref<16384xf32, #tpu.memory_space<vmem>>) target_semaphore(%run_scoped3A_61 : memref<!tpu.dma_semaphore, #tpu.memory_space<semaphore_mem>>)
        %dma_wait3A = arith.constant 0 : i32
        %dma_wait3A_67 = tpu.memref_slice %arg3[%run_scoped3A_34, %select_n3A, %select_n3A_33, %dma_wait3A] : memref<5x8x3x16384xf32, #tpu.memory_space<hbm>> -> memref<1x1x1x16384xf32, #tpu.memory_space<hbm>>
        %dma_wait3A_68 = tpu.memref_squeeze %dma_wait3A_67 : memref<1x1x1x16384xf32, #tpu.memory_space<hbm>> -> memref<16384xf32, #tpu.memory_space<hbm>>
        %dma_wait3A_69 = arith.constant 0 : i32
        %dma_wait3A_70 = tpu.memref_slice %arg3[%run_scoped3A_34, %select_n3A, %select_n3A_33, %dma_wait3A_69] : memref<5x8x3x16384xf32, #tpu.memory_space<hbm>> -> memref<1x1x1x16384xf32, #tpu.memory_space<hbm>>
        %dma_wait3A_71 = tpu.memref_squeeze %dma_wait3A_70 : memref<1x1x1x16384xf32, #tpu.memory_space<hbm>> -> memref<16384xf32, #tpu.memory_space<hbm>>
        tpu.wait_dma2 semaphore(%run_scoped3A_61 : memref<!tpu.dma_semaphore, #tpu.memory_space<semaphore_mem>>) src(%dma_wait3A_71 : memref<16384xf32, #tpu.memory_space<hbm>>) dst(%arg7 : memref<16384xf32, #tpu.memory_space<vmem>>)
        tpu.yield
      }) : () -> ()
      %run_scoped3A_35 = arith.constant 2 : i32
      "tpu.region"() ({
        %run_scoped3A_61 = tpu.sem_alloc : memref<!tpu.dma_semaphore, #tpu.memory_space<semaphore_mem>>
        %dma_start3A = arith.constant 0 : i32
        %dma_start3A_62 = tpu.memref_slice %arg3[%run_scoped3A_35, %select_n3A, %select_n3A_33, %dma_start3A] : memref<5x8x3x16384xf32, #tpu.memory_space<hbm>> -> memref<1x1x1x16384xf32, #tpu.memory_space<hbm>>
        %dma_start3A_63 = tpu.memref_squeeze %dma_start3A_62 : memref<1x1x1x16384xf32, #tpu.memory_space<hbm>> -> memref<16384xf32, #tpu.memory_space<hbm>>
        %dma_start3A_64 = arith.constant 0 : i32
        %dma_start3A_65 = tpu.memref_slice %arg3[%run_scoped3A_35, %select_n3A, %select_n3A_33, %dma_start3A_64] : memref<5x8x3x16384xf32, #tpu.memory_space<hbm>> -> memref<1x1x1x16384xf32, #tpu.memory_space<hbm>>
        %dma_start3A_66 = tpu.memref_squeeze %dma_start3A_65 : memref<1x1x1x16384xf32, #tpu.memory_space<hbm>> -> memref<16384xf32, #tpu.memory_space<hbm>>
        tpu.enqueue_dma source(%dma_start3A_66 : memref<16384xf32, #tpu.memory_space<hbm>>) target(%arg8 : memref<16384xf32, #tpu.memory_space<vmem>>) target_semaphore(%run_scoped3A_61 : memref<!tpu.dma_semaphore, #tpu.memory_space<semaphore_mem>>)
        %dma_wait3A = arith.constant 0 : i32
        %dma_wait3A_67 = tpu.memref_slice %arg3[%run_scoped3A_35, %select_n3A, %select_n3A_33, %dma_wait3A] : memref<5x8x3x16384xf32, #tpu.memory_space<hbm>> -> memref<1x1x1x16384xf32, #tpu.memory_space<hbm>>
        %dma_wait3A_68 = tpu.memref_squeeze %dma_wait3A_67 : memref<1x1x1x16384xf32, #tpu.memory_space<hbm>> -> memref<16384xf32, #tpu.memory_space<hbm>>
        %dma_wait3A_69 = arith.constant 0 : i32
        %dma_wait3A_70 = tpu.memref_slice %arg3[%run_scoped3A_35, %select_n3A, %select_n3A_33, %dma_wait3A_69] : memref<5x8x3x16384xf32, #tpu.memory_space<hbm>> -> memref<1x1x1x16384xf32, #tpu.memory_space<hbm>>
        %dma_wait3A_71 = tpu.memref_squeeze %dma_wait3A_70 : memref<1x1x1x16384xf32, #tpu.memory_space<hbm>> -> memref<16384xf32, #tpu.memory_space<hbm>>
        tpu.wait_dma2 semaphore(%run_scoped3A_61 : memref<!tpu.dma_semaphore, #tpu.memory_space<semaphore_mem>>) src(%dma_wait3A_71 : memref<16384xf32, #tpu.memory_space<hbm>>) dst(%arg8 : memref<16384xf32, #tpu.memory_space<vmem>>)
        tpu.yield
      }) : () -> ()
      %run_scoped3A_36 = arith.constant 3 : i32
      "tpu.region"() ({
        %run_scoped3A_61 = tpu.sem_alloc : memref<!tpu.dma_semaphore, #tpu.memory_space<semaphore_mem>>
        %dma_start3A = arith.constant 0 : i32
        %dma_start3A_62 = tpu.memref_slice %arg3[%run_scoped3A_36, %select_n3A, %select_n3A_33, %dma_start3A] : memref<5x8x3x16384xf32, #tpu.memory_space<hbm>> -> memref<1x1x1x16384xf32, #tpu.memory_space<hbm>>
        %dma_start3A_63 = tpu.memref_squeeze %dma_start3A_62 : memref<1x1x1x16384xf32, #tpu.memory_space<hbm>> -> memref<16384xf32, #tpu.memory_space<hbm>>
        %dma_start3A_64 = arith.constant 0 : i32
        %dma_start3A_65 = tpu.memref_slice %arg3[%run_scoped3A_36, %select_n3A, %select_n3A_33, %dma_start3A_64] : memref<5x8x3x16384xf32, #tpu.memory_space<hbm>> -> memref<1x1x1x16384xf32, #tpu.memory_space<hbm>>
        %dma_start3A_66 = tpu.memref_squeeze %dma_start3A_65 : memref<1x1x1x16384xf32, #tpu.memory_space<hbm>> -> memref<16384xf32, #tpu.memory_space<hbm>>
        tpu.enqueue_dma source(%dma_start3A_66 : memref<16384xf32, #tpu.memory_space<hbm>>) target(%arg9 : memref<16384xf32, #tpu.memory_space<vmem>>) target_semaphore(%run_scoped3A_61 : memref<!tpu.dma_semaphore, #tpu.memory_space<semaphore_mem>>)
        %dma_wait3A = arith.constant 0 : i32
        %dma_wait3A_67 = tpu.memref_slice %arg3[%run_scoped3A_36, %select_n3A, %select_n3A_33, %dma_wait3A] : memref<5x8x3x16384xf32, #tpu.memory_space<hbm>> -> memref<1x1x1x16384xf32, #tpu.memory_space<hbm>>
        %dma_wait3A_68 = tpu.memref_squeeze %dma_wait3A_67 : memref<1x1x1x16384xf32, #tpu.memory_space<hbm>> -> memref<16384xf32, #tpu.memory_space<hbm>>
        %dma_wait3A_69 = arith.constant 0 : i32
        %dma_wait3A_70 = tpu.memref_slice %arg3[%run_scoped3A_36, %select_n3A, %select_n3A_33, %dma_wait3A_69] : memref<5x8x3x16384xf32, #tpu.memory_space<hbm>> -> memref<1x1x1x16384xf32, #tpu.memory_space<hbm>>
        %dma_wait3A_71 = tpu.memref_squeeze %dma_wait3A_70 : memref<1x1x1x16384xf32, #tpu.memory_space<hbm>> -> memref<16384xf32, #tpu.memory_space<hbm>>
        tpu.wait_dma2 semaphore(%run_scoped3A_61 : memref<!tpu.dma_semaphore, #tpu.memory_space<semaphore_mem>>) src(%dma_wait3A_71 : memref<16384xf32, #tpu.memory_space<hbm>>) dst(%arg9 : memref<16384xf32, #tpu.memory_space<vmem>>)
        tpu.yield
      }) : () -> ()
      %run_scoped3A_37 = arith.constant 4 : i32
      "tpu.region"() ({
        %run_scoped3A_61 = tpu.sem_alloc : memref<!tpu.dma_semaphore, #tpu.memory_space<semaphore_mem>>
        %dma_start3A = arith.constant 0 : i32
        %dma_start3A_62 = tpu.memref_slice %arg3[%run_scoped3A_37, %select_n3A, %select_n3A_33, %dma_start3A] : memref<5x8x3x16384xf32, #tpu.memory_space<hbm>> -> memref<1x1x1x16384xf32, #tpu.memory_space<hbm>>
        %dma_start3A_63 = tpu.memref_squeeze %dma_start3A_62 : memref<1x1x1x16384xf32, #tpu.memory_space<hbm>> -> memref<16384xf32, #tpu.memory_space<hbm>>
        %dma_start3A_64 = arith.constant 0 : i32
        %dma_start3A_65 = tpu.memref_slice %arg3[%run_scoped3A_37, %select_n3A, %select_n3A_33, %dma_start3A_64] : memref<5x8x3x16384xf32, #tpu.memory_space<hbm>> -> memref<1x1x1x16384xf32, #tpu.memory_space<hbm>>
        %dma_start3A_66 = tpu.memref_squeeze %dma_start3A_65 : memref<1x1x1x16384xf32, #tpu.memory_space<hbm>> -> memref<16384xf32, #tpu.memory_space<hbm>>
        tpu.enqueue_dma source(%dma_start3A_66 : memref<16384xf32, #tpu.memory_space<hbm>>) target(%arg10 : memref<16384xf32, #tpu.memory_space<vmem>>) target_semaphore(%run_scoped3A_61 : memref<!tpu.dma_semaphore, #tpu.memory_space<semaphore_mem>>)
        %dma_wait3A = arith.constant 0 : i32
        %dma_wait3A_67 = tpu.memref_slice %arg3[%run_scoped3A_37, %select_n3A, %select_n3A_33, %dma_wait3A] : memref<5x8x3x16384xf32, #tpu.memory_space<hbm>> -> memref<1x1x1x16384xf32, #tpu.memory_space<hbm>>
        %dma_wait3A_68 = tpu.memref_squeeze %dma_wait3A_67 : memref<1x1x1x16384xf32, #tpu.memory_space<hbm>> -> memref<16384xf32, #tpu.memory_space<hbm>>
        %dma_wait3A_69 = arith.constant 0 : i32
        %dma_wait3A_70 = tpu.memref_slice %arg3[%run_scoped3A_37, %select_n3A, %select_n3A_33, %dma_wait3A_69] : memref<5x8x3x16384xf32, #tpu.memory_space<hbm>> -> memref<1x1x1x16384xf32, #tpu.memory_space<hbm>>
        %dma_wait3A_71 = tpu.memref_squeeze %dma_wait3A_70 : memref<1x1x1x16384xf32, #tpu.memory_space<hbm>> -> memref<16384xf32, #tpu.memory_space<hbm>>
        tpu.wait_dma2 semaphore(%run_scoped3A_61 : memref<!tpu.dma_semaphore, #tpu.memory_space<semaphore_mem>>) src(%dma_wait3A_71 : memref<16384xf32, #tpu.memory_space<hbm>>) dst(%arg10 : memref<16384xf32, #tpu.memory_space<vmem>>)
        tpu.yield
      }) : () -> ()
      %broadcast_in_dim3A = arith.constant -1.000000e+00 : f32
      %broadcast_in_dim3A_38 = vector.broadcast %broadcast_in_dim3A : f32 to vector<16xf32>
      %scan3A = arith.constant 0 : i32
      %scan3A_39 = arith.constant 0 : i32
      %scan3A_40 = arith.constant 64 : i32
      %scan3A_41 = arith.addi %scan3A_39, %scan3A_40 : i32
      %scan3A_42 = arith.constant 1 : i32
      %scan3A_43 = scf.for %scan3A_61 = %scan3A_39 to %scan3A_41 step %scan3A_42 iter_args(%scan3A_62 = %scan3A) -> (i32)  : i32 {
        %mul3A_63 = arith.constant 16 : i32
        %mul3A_64 = arith.muli %scan3A_61, %mul3A_63 : i32
        %swap3A = arith.index_cast %mul3A_64 : i32 to index
        %swap3A_65 = tpu.vector_load %arg11[%swap3A] {strides = array<i32>} : memref<1024xf32, #tpu.memory_space<vmem>>, vector<16xf32>,
        tpu.vector_store %arg11[%swap3A], %broadcast_in_dim3A_38 {strides = array<i32>} : memref<1024xf32, #tpu.memory_space<vmem>>, vector<16xf32>,
        %swap3A_66 = arith.index_cast %mul3A_64 : i32 to index
        %swap3A_67 = tpu.vector_load %arg12[%swap3A_66] {strides = array<i32>} : memref<1024xf32, #tpu.memory_space<vmem>>, vector<16xf32>,
        tpu.vector_store %arg12[%swap3A_66], %broadcast_in_dim3A_38 {strides = array<i32>} : memref<1024xf32, #tpu.memory_space<vmem>>, vector<16xf32>,
        %swap3A_68 = arith.index_cast %mul3A_64 : i32 to index
        %swap3A_69 = tpu.vector_load %arg13[%swap3A_68] {strides = array<i32>} : memref<1024xf32, #tpu.memory_space<vmem>>, vector<16xf32>,
        tpu.vector_store %arg13[%swap3A_68], %broadcast_in_dim3A_38 {strides = array<i32>} : memref<1024xf32, #tpu.memory_space<vmem>>, vector<16xf32>,
        %swap3A_70 = arith.index_cast %mul3A_64 : i32 to index
        %swap3A_71 = tpu.vector_load %arg14[%swap3A_70] {strides = array<i32>} : memref<1024xf32, #tpu.memory_space<vmem>>, vector<16xf32>,
        tpu.vector_store %arg14[%swap3A_70], %broadcast_in_dim3A_38 {strides = array<i32>} : memref<1024xf32, #tpu.memory_space<vmem>>, vector<16xf32>,
        %swap3A_72 = arith.index_cast %mul3A_64 : i32 to index
        %swap3A_73 = tpu.vector_load %arg15[%swap3A_72] {strides = array<i32>} : memref<1024xf32, #tpu.memory_space<vmem>>, vector<16xf32>,
        tpu.vector_store %arg15[%swap3A_72], %broadcast_in_dim3A_38 {strides = array<i32>} : memref<1024xf32, #tpu.memory_space<vmem>>, vector<16xf32>,
        %swap3A_74 = arith.index_cast %mul3A_64 : i32 to index
        %swap3A_75 = tpu.vector_load %arg16[%swap3A_74] {strides = array<i32>} : memref<1024xf32, #tpu.memory_space<vmem>>, vector<16xf32>,
        tpu.vector_store %arg16[%swap3A_74], %broadcast_in_dim3A_38 {strides = array<i32>} : memref<1024xf32, #tpu.memory_space<vmem>>, vector<16xf32>,
        %scan3A_76 = arith.constant 0 : i32
        scf.yield %scan3A_76 : i32
      }
      %scan3A_44 = arith.constant 64 : i32
      %broadcast_in_dim3A_45 = arith.constant 0 : i32
      %broadcast_in_dim3A_46 = vector.broadcast %broadcast_in_dim3A_45 : i32 to vector<16xi32>
      %scan3A_47 = arith.constant 0 : i32
      %scan3A_48 = arith.constant 1024 : i32
      %scan3A_49 = arith.addi %scan3A_47, %scan3A_48 : i32
      %scan3A_50 = arith.constant 1 : i32
      %scan3A_51 = scf.for %scan3A_61 = %scan3A_47 to %scan3A_49 step %scan3A_50 iter_args(%scan3A_62 = %broadcast_in_dim3A_46) -> (vector<16xi32>)  : i32 {
        %mul3A_63 = arith.constant 16 : i32
        %mul3A_64 = arith.muli %scan3A_61, %mul3A_63 : i32
        %get3A = arith.index_cast %mul3A_64 : i32 to index
        %get3A_65 = tpu.vector_load %arg5[%get3A] {strides = array<i32>} : memref<16384xf32, #tpu.memory_space<vmem>>, vector<16xf32>,
        %gt3A = arith.constant 0.000000e+00 : f32
        %gt3A_66 = vector.broadcast %gt3A : f32 to vector<16xf32>
        %gt3A_67 = arith.cmpf ogt, %get3A_65, %gt3A_66 : vector<16xf32>
        %convert_element_type3A_68 = arith.extui %gt3A_67 : vector<16xi1> to vector<16xi32>
        %cumsum3A = arith.constant true
        %cumsum3A_69 = vector.broadcast %cumsum3A : i1 to vector<16xi1>
        %cumsum3A_70 = tpu.scan <sum>, %convert_element_type3A_68 masked %cumsum3A_69 : vector<16xi32>, vector<16xi1> -> vector<16xi32>
        %add3A_71 = arith.addi %scan3A_62, %cumsum3A_70 : vector<16xi32>
        %sub3A_72 = arith.constant 1 : i32
        %sub3A_73 = vector.broadcast %sub3A_72 : i32 to vector<16xi32>
        %sub3A_74 = arith.subi %add3A_71, %sub3A_73 : vector<16xi32>
        tpu.vector_store_idx %arg11[%sub3A_74], %get3A_65 masked %gt3A_67 : memref<1024xf32, #tpu.memory_space<vmem>>[vector<16xi32>], vector<16xf32>, vector<16xi1>
        %get3A_75 = arith.index_cast %mul3A_64 : i32 to index
        %get3A_76 = tpu.vector_load %arg6[%get3A_75] {strides = array<i32>} : memref<16384xf32, #tpu.memory_space<vmem>>, vector<16xf32>,
        tpu.vector_store_idx %arg12[%sub3A_74], %get3A_76 masked %gt3A_67 : memref<1024xf32, #tpu.memory_space<vmem>>[vector<16xi32>], vector<16xf32>, vector<16xi1>
        %get3A_77 = arith.index_cast %mul3A_64 : i32 to index
        %get3A_78 = tpu.vector_load %arg7[%get3A_77] {strides = array<i32>} : memref<16384xf32, #tpu.memory_space<vmem>>, vector<16xf32>,
        tpu.vector_store_idx %arg13[%sub3A_74], %get3A_78 masked %gt3A_67 : memref<1024xf32, #tpu.memory_space<vmem>>[vector<16xi32>], vector<16xf32>, vector<16xi1>
        %get3A_79 = arith.index_cast %mul3A_64 : i32 to index
        %get3A_80 = tpu.vector_load %arg8[%get3A_79] {strides = array<i32>} : memref<16384xf32, #tpu.memory_space<vmem>>, vector<16xf32>,
        tpu.vector_store_idx %arg14[%sub3A_74], %get3A_80 masked %gt3A_67 : memref<1024xf32, #tpu.memory_space<vmem>>[vector<16xi32>], vector<16xf32>, vector<16xi1>
        %get3A_81 = arith.index_cast %mul3A_64 : i32 to index
        %get3A_82 = tpu.vector_load %arg9[%get3A_81] {strides = array<i32>} : memref<16384xf32, #tpu.memory_space<vmem>>, vector<16xf32>,
        tpu.vector_store_idx %arg15[%sub3A_74], %get3A_82 masked %gt3A_67 : memref<1024xf32, #tpu.memory_space<vmem>>[vector<16xi32>], vector<16xf32>, vector<16xi1>
        %get3A_83 = arith.index_cast %mul3A_64 : i32 to index
        %get3A_84 = tpu.vector_load %arg10[%get3A_83] {strides = array<i32>} : memref<16384xf32, #tpu.memory_space<vmem>>, vector<16xf32>,
        tpu.vector_store_idx %arg16[%sub3A_74], %get3A_84 masked %gt3A_67 : memref<1024xf32, #tpu.memory_space<vmem>>[vector<16xi32>], vector<16xf32>, vector<16xi1>
        %all_reduce_population_count3A = tpu.all_reduce %gt3A_67 {dim = 0 : i64, kind = #tpu.reduction_kind<sum>} : vector<16xi1> -> vector<16xi32>
        %add3A_85 = arith.addi %scan3A_62, %all_reduce_population_count3A : vector<16xi32>
        scf.yield %add3A_85 : vector<16xi32>
      }
      %scan3A_52 = arith.constant 1024 : i32
      %mul3A_53 = arith.constant 1024 : i32
      %mul3A_54 = arith.muli %select_n3A_33, %mul3A_53 : i32
      %run_scoped3A_55 = arith.constant 0 : i32
      "tpu.region"() ({
        %run_scoped3A_61 = tpu.sem_alloc : memref<!tpu.dma_semaphore, #tpu.memory_space<semaphore_mem>>
        %dma_start3A = tpu.memref_slice %arg4[%run_scoped3A_55, %select_n3A, %mul3A_54] : memref<6x8x3072xf32, #tpu.memory_space<hbm>> -> memref<1x1x1024xf32, #tpu.memory_space<hbm>>
        %dma_start3A_62 = tpu.memref_squeeze %dma_start3A : memref<1x1x1024xf32, #tpu.memory_space<hbm>> -> memref<1024xf32, #tpu.memory_space<hbm>>
        %dma_start3A_63 = tpu.memref_slice %arg4[%run_scoped3A_55, %select_n3A, %mul3A_54] : memref<6x8x3072xf32, #tpu.memory_space<hbm>> -> memref<1x1x1024xf32, #tpu.memory_space<hbm>>
        %dma_start3A_64 = tpu.memref_squeeze %dma_start3A_63 : memref<1x1x1024xf32, #tpu.memory_space<hbm>> -> memref<1024xf32, #tpu.memory_space<hbm>>
        tpu.enqueue_dma source(%arg11 : memref<1024xf32, #tpu.memory_space<vmem>>) target(%dma_start3A_64 : memref<1024xf32, #tpu.memory_space<hbm>>) target_semaphore(%run_scoped3A_61 : memref<!tpu.dma_semaphore, #tpu.memory_space<semaphore_mem>>)
        %dma_wait3A = tpu.memref_slice %arg4[%run_scoped3A_55, %select_n3A, %mul3A_54] : memref<6x8x3072xf32, #tpu.memory_space<hbm>> -> memref<1x1x1024xf32, #tpu.memory_space<hbm>>
        %dma_wait3A_65 = tpu.memref_squeeze %dma_wait3A : memref<1x1x1024xf32, #tpu.memory_space<hbm>> -> memref<1024xf32, #tpu.memory_space<hbm>>
        %dma_wait3A_66 = tpu.memref_slice %arg4[%run_scoped3A_55, %select_n3A, %mul3A_54] : memref<6x8x3072xf32, #tpu.memory_space<hbm>> -> memref<1x1x1024xf32, #tpu.memory_space<hbm>>
        %dma_wait3A_67 = tpu.memref_squeeze %dma_wait3A_66 : memref<1x1x1024xf32, #tpu.memory_space<hbm>> -> memref<1024xf32, #tpu.memory_space<hbm>>
        tpu.wait_dma2 semaphore(%run_scoped3A_61 : memref<!tpu.dma_semaphore, #tpu.memory_space<semaphore_mem>>) src(%arg11 : memref<1024xf32, #tpu.memory_space<vmem>>) dst(%dma_wait3A_67 : memref<1024xf32, #tpu.memory_space<hbm>>)
        tpu.yield
      }) : () -> ()
      %run_scoped3A_56 = arith.constant 1 : i32
      "tpu.region"() ({
        %run_scoped3A_61 = tpu.sem_alloc : memref<!tpu.dma_semaphore, #tpu.memory_space<semaphore_mem>>
        %dma_start3A = tpu.memref_slice %arg4[%run_scoped3A_56, %select_n3A, %mul3A_54] : memref<6x8x3072xf32, #tpu.memory_space<hbm>> -> memref<1x1x1024xf32, #tpu.memory_space<hbm>>
        %dma_start3A_62 = tpu.memref_squeeze %dma_start3A : memref<1x1x1024xf32, #tpu.memory_space<hbm>> -> memref<1024xf32, #tpu.memory_space<hbm>>
        %dma_start3A_63 = tpu.memref_slice %arg4[%run_scoped3A_56, %select_n3A, %mul3A_54] : memref<6x8x3072xf32, #tpu.memory_space<hbm>> -> memref<1x1x1024xf32, #tpu.memory_space<hbm>>
        %dma_start3A_64 = tpu.memref_squeeze %dma_start3A_63 : memref<1x1x1024xf32, #tpu.memory_space<hbm>> -> memref<1024xf32, #tpu.memory_space<hbm>>
        tpu.enqueue_dma source(%arg12 : memref<1024xf32, #tpu.memory_space<vmem>>) target(%dma_start3A_64 : memref<1024xf32, #tpu.memory_space<hbm>>) target_semaphore(%run_scoped3A_61 : memref<!tpu.dma_semaphore, #tpu.memory_space<semaphore_mem>>)
        %dma_wait3A = tpu.memref_slice %arg4[%run_scoped3A_56, %select_n3A, %mul3A_54] : memref<6x8x3072xf32, #tpu.memory_space<hbm>> -> memref<1x1x1024xf32, #tpu.memory_space<hbm>>
        %dma_wait3A_65 = tpu.memref_squeeze %dma_wait3A : memref<1x1x1024xf32, #tpu.memory_space<hbm>> -> memref<1024xf32, #tpu.memory_space<hbm>>
        %dma_wait3A_66 = tpu.memref_slice %arg4[%run_scoped3A_56, %select_n3A, %mul3A_54] : memref<6x8x3072xf32, #tpu.memory_space<hbm>> -> memref<1x1x1024xf32, #tpu.memory_space<hbm>>
        %dma_wait3A_67 = tpu.memref_squeeze %dma_wait3A_66 : memref<1x1x1024xf32, #tpu.memory_space<hbm>> -> memref<1024xf32, #tpu.memory_space<hbm>>
        tpu.wait_dma2 semaphore(%run_scoped3A_61 : memref<!tpu.dma_semaphore, #tpu.memory_space<semaphore_mem>>) src(%arg12 : memref<1024xf32, #tpu.memory_space<vmem>>) dst(%dma_wait3A_67 : memref<1024xf32, #tpu.memory_space<hbm>>)
        tpu.yield
      }) : () -> ()
      %run_scoped3A_57 = arith.constant 2 : i32
      "tpu.region"() ({
        %run_scoped3A_61 = tpu.sem_alloc : memref<!tpu.dma_semaphore, #tpu.memory_space<semaphore_mem>>
        %dma_start3A = tpu.memref_slice %arg4[%run_scoped3A_57, %select_n3A, %mul3A_54] : memref<6x8x3072xf32, #tpu.memory_space<hbm>> -> memref<1x1x1024xf32, #tpu.memory_space<hbm>>
        %dma_start3A_62 = tpu.memref_squeeze %dma_start3A : memref<1x1x1024xf32, #tpu.memory_space<hbm>> -> memref<1024xf32, #tpu.memory_space<hbm>>
        %dma_start3A_63 = tpu.memref_slice %arg4[%run_scoped3A_57, %select_n3A, %mul3A_54] : memref<6x8x3072xf32, #tpu.memory_space<hbm>> -> memref<1x1x1024xf32, #tpu.memory_space<hbm>>
        %dma_start3A_64 = tpu.memref_squeeze %dma_start3A_63 : memref<1x1x1024xf32, #tpu.memory_space<hbm>> -> memref<1024xf32, #tpu.memory_space<hbm>>
        tpu.enqueue_dma source(%arg13 : memref<1024xf32, #tpu.memory_space<vmem>>) target(%dma_start3A_64 : memref<1024xf32, #tpu.memory_space<hbm>>) target_semaphore(%run_scoped3A_61 : memref<!tpu.dma_semaphore, #tpu.memory_space<semaphore_mem>>)
        %dma_wait3A = tpu.memref_slice %arg4[%run_scoped3A_57, %select_n3A, %mul3A_54] : memref<6x8x3072xf32, #tpu.memory_space<hbm>> -> memref<1x1x1024xf32, #tpu.memory_space<hbm>>
        %dma_wait3A_65 = tpu.memref_squeeze %dma_wait3A : memref<1x1x1024xf32, #tpu.memory_space<hbm>> -> memref<1024xf32, #tpu.memory_space<hbm>>
        %dma_wait3A_66 = tpu.memref_slice %arg4[%run_scoped3A_57, %select_n3A, %mul3A_54] : memref<6x8x3072xf32, #tpu.memory_space<hbm>> -> memref<1x1x1024xf32, #tpu.memory_space<hbm>>
        %dma_wait3A_67 = tpu.memref_squeeze %dma_wait3A_66 : memref<1x1x1024xf32, #tpu.memory_space<hbm>> -> memref<1024xf32, #tpu.memory_space<hbm>>
        tpu.wait_dma2 semaphore(%run_scoped3A_61 : memref<!tpu.dma_semaphore, #tpu.memory_space<semaphore_mem>>) src(%arg13 : memref<1024xf32, #tpu.memory_space<vmem>>) dst(%dma_wait3A_67 : memref<1024xf32, #tpu.memory_space<hbm>>)
        tpu.yield
      }) : () -> ()
      %run_scoped3A_58 = arith.constant 3 : i32
      "tpu.region"() ({
        %run_scoped3A_61 = tpu.sem_alloc : memref<!tpu.dma_semaphore, #tpu.memory_space<semaphore_mem>>
        %dma_start3A = tpu.memref_slice %arg4[%run_scoped3A_58, %select_n3A, %mul3A_54] : memref<6x8x3072xf32, #tpu.memory_space<hbm>> -> memref<1x1x1024xf32, #tpu.memory_space<hbm>>
        %dma_start3A_62 = tpu.memref_squeeze %dma_start3A : memref<1x1x1024xf32, #tpu.memory_space<hbm>> -> memref<1024xf32, #tpu.memory_space<hbm>>
        %dma_start3A_63 = tpu.memref_slice %arg4[%run_scoped3A_58, %select_n3A, %mul3A_54] : memref<6x8x3072xf32, #tpu.memory_space<hbm>> -> memref<1x1x1024xf32, #tpu.memory_space<hbm>>
        %dma_start3A_64 = tpu.memref_squeeze %dma_start3A_63 : memref<1x1x1024xf32, #tpu.memory_space<hbm>> -> memref<1024xf32, #tpu.memory_space<hbm>>
        tpu.enqueue_dma source(%arg14 : memref<1024xf32, #tpu.memory_space<vmem>>) target(%dma_start3A_64 : memref<1024xf32, #tpu.memory_space<hbm>>) target_semaphore(%run_scoped3A_61 : memref<!tpu.dma_semaphore, #tpu.memory_space<semaphore_mem>>)
        %dma_wait3A = tpu.memref_slice %arg4[%run_scoped3A_58, %select_n3A, %mul3A_54] : memref<6x8x3072xf32, #tpu.memory_space<hbm>> -> memref<1x1x1024xf32, #tpu.memory_space<hbm>>
        %dma_wait3A_65 = tpu.memref_squeeze %dma_wait3A : memref<1x1x1024xf32, #tpu.memory_space<hbm>> -> memref<1024xf32, #tpu.memory_space<hbm>>
        %dma_wait3A_66 = tpu.memref_slice %arg4[%run_scoped3A_58, %select_n3A, %mul3A_54] : memref<6x8x3072xf32, #tpu.memory_space<hbm>> -> memref<1x1x1024xf32, #tpu.memory_space<hbm>>
        %dma_wait3A_67 = tpu.memref_squeeze %dma_wait3A_66 : memref<1x1x1024xf32, #tpu.memory_space<hbm>> -> memref<1024xf32, #tpu.memory_space<hbm>>
        tpu.wait_dma2 semaphore(%run_scoped3A_61 : memref<!tpu.dma_semaphore, #tpu.memory_space<semaphore_mem>>) src(%arg14 : memref<1024xf32, #tpu.memory_space<vmem>>) dst(%dma_wait3A_67 : memref<1024xf32, #tpu.memory_space<hbm>>)
        tpu.yield
      }) : () -> ()
      %run_scoped3A_59 = arith.constant 4 : i32
      "tpu.region"() ({
        %run_scoped3A_61 = tpu.sem_alloc : memref<!tpu.dma_semaphore, #tpu.memory_space<semaphore_mem>>
        %dma_start3A = tpu.memref_slice %arg4[%run_scoped3A_59, %select_n3A, %mul3A_54] : memref<6x8x3072xf32, #tpu.memory_space<hbm>> -> memref<1x1x1024xf32, #tpu.memory_space<hbm>>
        %dma_start3A_62 = tpu.memref_squeeze %dma_start3A : memref<1x1x1024xf32, #tpu.memory_space<hbm>> -> memref<1024xf32, #tpu.memory_space<hbm>>
        %dma_start3A_63 = tpu.memref_slice %arg4[%run_scoped3A_59, %select_n3A, %mul3A_54] : memref<6x8x3072xf32, #tpu.memory_space<hbm>> -> memref<1x1x1024xf32, #tpu.memory_space<hbm>>
        %dma_start3A_64 = tpu.memref_squeeze %dma_start3A_63 : memref<1x1x1024xf32, #tpu.memory_space<hbm>> -> memref<1024xf32, #tpu.memory_space<hbm>>
        tpu.enqueue_dma source(%arg15 : memref<1024xf32, #tpu.memory_space<vmem>>) target(%dma_start3A_64 : memref<1024xf32, #tpu.memory_space<hbm>>) target_semaphore(%run_scoped3A_61 : memref<!tpu.dma_semaphore, #tpu.memory_space<semaphore_mem>>)
        %dma_wait3A = tpu.memref_slice %arg4[%run_scoped3A_59, %select_n3A, %mul3A_54] : memref<6x8x3072xf32, #tpu.memory_space<hbm>> -> memref<1x1x1024xf32, #tpu.memory_space<hbm>>
        %dma_wait3A_65 = tpu.memref_squeeze %dma_wait3A : memref<1x1x1024xf32, #tpu.memory_space<hbm>> -> memref<1024xf32, #tpu.memory_space<hbm>>
        %dma_wait3A_66 = tpu.memref_slice %arg4[%run_scoped3A_59, %select_n3A, %mul3A_54] : memref<6x8x3072xf32, #tpu.memory_space<hbm>> -> memref<1x1x1024xf32, #tpu.memory_space<hbm>>
        %dma_wait3A_67 = tpu.memref_squeeze %dma_wait3A_66 : memref<1x1x1024xf32, #tpu.memory_space<hbm>> -> memref<1024xf32, #tpu.memory_space<hbm>>
        tpu.wait_dma2 semaphore(%run_scoped3A_61 : memref<!tpu.dma_semaphore, #tpu.memory_space<semaphore_mem>>) src(%arg15 : memref<1024xf32, #tpu.memory_space<vmem>>) dst(%dma_wait3A_67 : memref<1024xf32, #tpu.memory_space<hbm>>)
        tpu.yield
      }) : () -> ()
      %run_scoped3A_60 = arith.constant 5 : i32
      "tpu.region"() ({
        %run_scoped3A_61 = tpu.sem_alloc : memref<!tpu.dma_semaphore, #tpu.memory_space<semaphore_mem>>
        %dma_start3A = tpu.memref_slice %arg4[%run_scoped3A_60, %select_n3A, %mul3A_54] : memref<6x8x3072xf32, #tpu.memory_space<hbm>> -> memref<1x1x1024xf32, #tpu.memory_space<hbm>>
        %dma_start3A_62 = tpu.memref_squeeze %dma_start3A : memref<1x1x1024xf32, #tpu.memory_space<hbm>> -> memref<1024xf32, #tpu.memory_space<hbm>>
        %dma_start3A_63 = tpu.memref_slice %arg4[%run_scoped3A_60, %select_n3A, %mul3A_54] : memref<6x8x3072xf32, #tpu.memory_space<hbm>> -> memref<1x1x1024xf32, #tpu.memory_space<hbm>>
        %dma_start3A_64 = tpu.memref_squeeze %dma_start3A_63 : memref<1x1x1024xf32, #tpu.memory_space<hbm>> -> memref<1024xf32, #tpu.memory_space<hbm>>
        tpu.enqueue_dma source(%arg16 : memref<1024xf32, #tpu.memory_space<vmem>>) target(%dma_start3A_64 : memref<1024xf32, #tpu.memory_space<hbm>>) target_semaphore(%run_scoped3A_61 : memref<!tpu.dma_semaphore, #tpu.memory_space<semaphore_mem>>)
        %dma_wait3A = tpu.memref_slice %arg4[%run_scoped3A_60, %select_n3A, %mul3A_54] : memref<6x8x3072xf32, #tpu.memory_space<hbm>> -> memref<1x1x1024xf32, #tpu.memory_space<hbm>>
        %dma_wait3A_65 = tpu.memref_squeeze %dma_wait3A : memref<1x1x1024xf32, #tpu.memory_space<hbm>> -> memref<1024xf32, #tpu.memory_space<hbm>>
        %dma_wait3A_66 = tpu.memref_slice %arg4[%run_scoped3A_60, %select_n3A, %mul3A_54] : memref<6x8x3072xf32, #tpu.memory_space<hbm>> -> memref<1x1x1024xf32, #tpu.memory_space<hbm>>
        %dma_wait3A_67 = tpu.memref_squeeze %dma_wait3A_66 : memref<1x1x1024xf32, #tpu.memory_space<hbm>> -> memref<1024xf32, #tpu.memory_space<hbm>>
        tpu.wait_dma2 semaphore(%run_scoped3A_61 : memref<!tpu.dma_semaphore, #tpu.memory_space<semaphore_mem>>) src(%arg16 : memref<1024xf32, #tpu.memory_space<vmem>>) dst(%dma_wait3A_67 : memref<1024xf32, #tpu.memory_space<hbm>>)
        tpu.yield
      }) : () -> ()
    } else {
    }
    return
  }
}

module attributes {stable_mosaic.version = 14 : i64} {
  func.func @_decode_body(%arg0: i32, %arg1: i32, %arg2: i32, %arg3: memref<1x1x80x8192xf32, #tpu.memory_space<vmem>>, %arg4: memref<1x1x10x8192xf32, #tpu.memory_space<vmem>>, %arg5: memref<1x1x1x8192xf32, #tpu.memory_space<vmem>>, %arg6: memref<5x1x1x1x8192xf32, #tpu.memory_space<vmem>>) attributes {dimension_semantics = [#tpu.dimension_semantics<arbitrary>, #tpu.dimension_semantics<arbitrary>, #tpu.dimension_semantics<arbitrary>], iteration_bounds = array<i64: 3, 8, 2>, scalar_prefetch = 0 : i64, scratch_operands = 0 : i64, tpu.core_type = #tpu.core_type<tc>, window_params = [{transform_indices = @transform_0, window_bounds = array<i64: 1, 1, 80, 8192>}, {transform_indices = @transform_1, window_bounds = array<i64: 1, 1, 10, 8192>}, {transform_indices = @transform_2, window_bounds = array<i64: 1, 1, 1, 8192>}, {transform_indices = @transform_3, window_bounds = array<i64: 5, 1, 1, 1, 8192>}]} {
    %get3A = arith.constant 0 : index
    %get3A_0 = arith.constant 0 : index
    %get3A_1 = arith.constant 0 : index
    %get3A_2 = arith.constant 0 : index
    %get3A_3 = vector.load %arg3[%get3A, %get3A_0, %get3A_1, %get3A_2] : memref<1x1x80x8192xf32, #tpu.memory_space<vmem>>, vector<1x1x80x8192xf32>
    %get3A_4 = vector.shape_cast %get3A_3 : vector<1x1x80x8192xf32> to vector<80x8192xf32>
    %get3A_5 = arith.constant 0 : index
    %get3A_6 = arith.constant 0 : index
    %get3A_7 = arith.constant 0 : index
    %get3A_8 = arith.constant 0 : index
    %get3A_9 = vector.load %arg4[%get3A_5, %get3A_6, %get3A_7, %get3A_8] : memref<1x1x10x8192xf32, #tpu.memory_space<vmem>>, vector<1x1x10x8192xf32>
    %get3A_10 = vector.shape_cast %get3A_9 : vector<1x1x10x8192xf32> to vector<10x8192xf32>
    %reduce_max3A = arith.constant dense<0xFF800000> : vector<8192xf32>
    %reduce_max3A_11 = vector.multi_reduction <maximumf>, %get3A_4, %reduce_max3A [0] : vector<80x8192xf32> to vector<8192xf32>
    %argmax3A = tpu.reduce_index %get3A_4 {axis = 0 : i32, kind = #tpu.reduction_kind<arg_max>} : vector<80x8192xf32> -> vector<8192xi32>
    %convert_element_type3A = arith.sitofp %argmax3A : vector<8192xi32> to vector<8192xf32>
    %neg3A = arith.constant 0.000000e+00 : f32
    %neg3A_12 = vector.broadcast %neg3A : f32 to vector<8192xf32>
    %neg3A_13 = arith.subf %neg3A_12, %reduce_max3A_11 : vector<8192xf32>
    %exp3A = math.exp %neg3A_13 : vector<8192xf32>
    %add3A = arith.constant 1.000000e+00 : f32
    %add3A_14 = vector.broadcast %add3A : f32 to vector<8192xf32>
    %add3A_15 = arith.addf %add3A_14, %exp3A : vector<8192xf32>
    %div3A = arith.constant 1.000000e+00 : f32
    %div3A_16 = vector.broadcast %div3A : f32 to vector<8192xf32>
    %div3A_17 = arith.divf %div3A_16, %add3A_15 : vector<8192xf32>
    %slice3A = vector.extract_strided_slice %get3A_10 {offsets = [9, 0], sizes = [1, 8192], strides = [1, 1]} : vector<10x8192xf32> to vector<1x8192xf32>
    %squeeze3A = vector.shape_cast %slice3A : vector<1x8192xf32> to vector<8192xf32>
    %neg3A_18 = arith.constant 0.000000e+00 : f32
    %neg3A_19 = vector.broadcast %neg3A_18 : f32 to vector<8192xf32>
    %neg3A_20 = arith.subf %neg3A_19, %squeeze3A : vector<8192xf32>
    %exp3A_21 = math.exp %neg3A_20 : vector<8192xf32>
    %add3A_22 = arith.constant 1.000000e+00 : f32
    %add3A_23 = vector.broadcast %add3A_22 : f32 to vector<8192xf32>
    %add3A_24 = arith.addf %add3A_23, %exp3A_21 : vector<8192xf32>
    %div3A_25 = arith.constant 1.000000e+00 : f32
    %div3A_26 = vector.broadcast %div3A_25 : f32 to vector<8192xf32>
    %div3A_27 = arith.divf %div3A_26, %add3A_24 : vector<8192xf32>
    %mul3A = arith.mulf %div3A_17, %div3A_27 : vector<8192xf32>
    %slice3A_28 = vector.extract_strided_slice %get3A_10 {offsets = [8, 0], sizes = [1, 8192], strides = [1, 1]} : vector<10x8192xf32> to vector<1x8192xf32>
    %squeeze3A_29 = vector.shape_cast %slice3A_28 : vector<1x8192xf32> to vector<8192xf32>
    %slice3A_30 = vector.extract_strided_slice %get3A_10 {offsets = [0, 0], sizes = [1, 8192], strides = [1, 1]} : vector<10x8192xf32> to vector<1x8192xf32>
    %squeeze3A_31 = vector.shape_cast %slice3A_30 : vector<1x8192xf32> to vector<8192xf32>
    %neg3A_32 = arith.constant 0.000000e+00 : f32
    %neg3A_33 = vector.broadcast %neg3A_32 : f32 to vector<8192xf32>
    %neg3A_34 = arith.subf %neg3A_33, %squeeze3A_31 : vector<8192xf32>
    %exp3A_35 = math.exp %neg3A_34 : vector<8192xf32>
    %add3A_36 = arith.constant 1.000000e+00 : f32
    %add3A_37 = vector.broadcast %add3A_36 : f32 to vector<8192xf32>
    %add3A_38 = arith.addf %add3A_37, %exp3A_35 : vector<8192xf32>
    %div3A_39 = arith.constant 1.000000e+00 : f32
    %div3A_40 = vector.broadcast %div3A_39 : f32 to vector<8192xf32>
    %div3A_41 = arith.divf %div3A_40, %add3A_38 : vector<8192xf32>
    %slice3A_42 = vector.extract_strided_slice %get3A_10 {offsets = [4, 0], sizes = [1, 8192], strides = [1, 1]} : vector<10x8192xf32> to vector<1x8192xf32>
    %squeeze3A_43 = vector.shape_cast %slice3A_42 : vector<1x8192xf32> to vector<8192xf32>
    %add3A_44 = arith.addf %div3A_41, %squeeze3A_43 : vector<8192xf32>
    %mul3A_45 = arith.mulf %add3A_44, %squeeze3A_29 : vector<8192xf32>
    %slice3A_46 = vector.extract_strided_slice %get3A_10 {offsets = [1, 0], sizes = [1, 8192], strides = [1, 1]} : vector<10x8192xf32> to vector<1x8192xf32>
    %squeeze3A_47 = vector.shape_cast %slice3A_46 : vector<1x8192xf32> to vector<8192xf32>
    %neg3A_48 = arith.constant 0.000000e+00 : f32
    %neg3A_49 = vector.broadcast %neg3A_48 : f32 to vector<8192xf32>
    %neg3A_50 = arith.subf %neg3A_49, %squeeze3A_47 : vector<8192xf32>
    %exp3A_51 = math.exp %neg3A_50 : vector<8192xf32>
    %add3A_52 = arith.constant 1.000000e+00 : f32
    %add3A_53 = vector.broadcast %add3A_52 : f32 to vector<8192xf32>
    %add3A_54 = arith.addf %add3A_53, %exp3A_51 : vector<8192xf32>
    %div3A_55 = arith.constant 1.000000e+00 : f32
    %div3A_56 = vector.broadcast %div3A_55 : f32 to vector<8192xf32>
    %div3A_57 = arith.divf %div3A_56, %add3A_54 : vector<8192xf32>
    %slice3A_58 = vector.extract_strided_slice %get3A_10 {offsets = [5, 0], sizes = [1, 8192], strides = [1, 1]} : vector<10x8192xf32> to vector<1x8192xf32>
    %squeeze3A_59 = vector.shape_cast %slice3A_58 : vector<1x8192xf32> to vector<8192xf32>
    %add3A_60 = arith.addf %div3A_57, %squeeze3A_59 : vector<8192xf32>
    %mul3A_61 = arith.mulf %add3A_60, %squeeze3A_29 : vector<8192xf32>
    %slice3A_62 = vector.extract_strided_slice %get3A_10 {offsets = [2, 0], sizes = [1, 8192], strides = [1, 1]} : vector<10x8192xf32> to vector<1x8192xf32>
    %squeeze3A_63 = vector.shape_cast %slice3A_62 : vector<1x8192xf32> to vector<8192xf32>
    %exp3A_64 = math.exp %squeeze3A_63 : vector<8192xf32>
    %slice3A_65 = vector.extract_strided_slice %get3A_10 {offsets = [6, 0], sizes = [1, 8192], strides = [1, 1]} : vector<10x8192xf32> to vector<1x8192xf32>
    %squeeze3A_66 = vector.shape_cast %slice3A_65 : vector<1x8192xf32> to vector<8192xf32>
    %mul3A_67 = arith.mulf %exp3A_64, %squeeze3A_66 : vector<8192xf32>
    %div3A_68 = arith.divf %mul3A_67, %squeeze3A_29 : vector<8192xf32>
    %slice3A_69 = vector.extract_strided_slice %get3A_10 {offsets = [3, 0], sizes = [1, 8192], strides = [1, 1]} : vector<10x8192xf32> to vector<1x8192xf32>
    %squeeze3A_70 = vector.shape_cast %slice3A_69 : vector<1x8192xf32> to vector<8192xf32>
    %exp3A_71 = math.exp %squeeze3A_70 : vector<8192xf32>
    %slice3A_72 = vector.extract_strided_slice %get3A_10 {offsets = [7, 0], sizes = [1, 8192], strides = [1, 1]} : vector<10x8192xf32> to vector<1x8192xf32>
    %squeeze3A_73 = vector.shape_cast %slice3A_72 : vector<1x8192xf32> to vector<8192xf32>
    %mul3A_74 = arith.mulf %exp3A_71, %squeeze3A_73 : vector<8192xf32>
    %div3A_75 = arith.divf %mul3A_74, %squeeze3A_29 : vector<8192xf32>
    %mul3A_76 = arith.constant 5.000000e-01 : f32
    %mul3A_77 = vector.broadcast %mul3A_76 : f32 to vector<8192xf32>
    %mul3A_78 = arith.mulf %mul3A_77, %div3A_68 : vector<8192xf32>
    %sub3A = arith.subf %mul3A_45, %mul3A_78 : vector<8192xf32>
    %mul3A_79 = arith.constant 5.000000e-01 : f32
    %mul3A_80 = vector.broadcast %mul3A_79 : f32 to vector<8192xf32>
    %mul3A_81 = arith.mulf %mul3A_80, %div3A_75 : vector<8192xf32>
    %sub3A_82 = arith.subf %mul3A_61, %mul3A_81 : vector<8192xf32>
    %add3A_83 = arith.addf %div3A_68, %sub3A : vector<8192xf32>
    %add3A_84 = arith.addf %div3A_75, %sub3A_82 : vector<8192xf32>
    %convert_element_type3A_85 = arith.fptosi %sub3A : vector<8192xf32> to vector<8192xi32>
    %max3A = arith.constant 0 : i32
    %max3A_86 = vector.broadcast %max3A : i32 to vector<8192xi32>
    %max3A_87 = arith.maxsi %convert_element_type3A_85, %max3A_86 : vector<8192xi32>
    %convert_element_type3A_88 = arith.sitofp %max3A_87 : vector<8192xi32> to vector<8192xf32>
    %convert_element_type3A_89 = arith.fptosi %sub3A_82 : vector<8192xf32> to vector<8192xi32>
    %max3A_90 = arith.constant 0 : i32
    %max3A_91 = vector.broadcast %max3A_90 : i32 to vector<8192xi32>
    %max3A_92 = arith.maxsi %convert_element_type3A_89, %max3A_91 : vector<8192xi32>
    %convert_element_type3A_93 = arith.sitofp %max3A_92 : vector<8192xi32> to vector<8192xf32>
    %convert_element_type3A_94 = arith.fptosi %add3A_83 : vector<8192xf32> to vector<8192xi32>
    %min3A = arith.constant 607 : i32
    %min3A_95 = vector.broadcast %min3A : i32 to vector<8192xi32>
    %min3A_96 = arith.minsi %convert_element_type3A_94, %min3A_95 : vector<8192xi32>
    %convert_element_type3A_97 = arith.sitofp %min3A_96 : vector<8192xi32> to vector<8192xf32>
    %convert_element_type3A_98 = arith.fptosi %add3A_84 : vector<8192xf32> to vector<8192xi32>
    %min3A_99 = arith.constant 607 : i32
    %min3A_100 = vector.broadcast %min3A_99 : i32 to vector<8192xi32>
    %min3A_101 = arith.minsi %convert_element_type3A_98, %min3A_100 : vector<8192xi32>
    %convert_element_type3A_102 = arith.sitofp %min3A_101 : vector<8192xi32> to vector<8192xf32>
    %swap3A = arith.constant 0 : index
    %swap3A_103 = arith.constant 0 : index
    %swap3A_104 = arith.constant 0 : index
    %swap3A_105 = arith.constant 0 : index
    %swap3A_106 = vector.load %arg5[%swap3A, %swap3A_103, %swap3A_104, %swap3A_105] : memref<1x1x1x8192xf32, #tpu.memory_space<vmem>>, vector<1x1x1x8192xf32>
    %swap3A_107 = vector.shape_cast %swap3A_106 : vector<1x1x1x8192xf32> to vector<8192xf32>
    %swap3A_108 = vector.shape_cast %mul3A : vector<8192xf32> to vector<1x1x1x8192xf32>
    tpu.vector_store %arg5[%swap3A, %swap3A_103, %swap3A_104, %swap3A_105], %swap3A_108 {strides = array<i32>} : memref<1x1x1x8192xf32, #tpu.memory_space<vmem>>, vector<1x1x1x8192xf32>,
    %swap3A_109 = arith.constant 0 : index
    %swap3A_110 = arith.constant 0 : index
    %swap3A_111 = arith.constant 0 : index
    %swap3A_112 = arith.constant 0 : index
    %swap3A_113 = arith.constant 0 : index
    %swap3A_114 = vector.load %arg6[%swap3A_109, %swap3A_110, %swap3A_111, %swap3A_112, %swap3A_113] : memref<5x1x1x1x8192xf32, #tpu.memory_space<vmem>>, vector<1x1x1x1x8192xf32>
    %swap3A_115 = vector.shape_cast %swap3A_114 : vector<1x1x1x1x8192xf32> to vector<8192xf32>
    %swap3A_116 = vector.shape_cast %convert_element_type3A : vector<8192xf32> to vector<1x1x1x1x8192xf32>
    tpu.vector_store %arg6[%swap3A_109, %swap3A_110, %swap3A_111, %swap3A_112, %swap3A_113], %swap3A_116 {strides = array<i32>} : memref<5x1x1x1x8192xf32, #tpu.memory_space<vmem>>, vector<1x1x1x1x8192xf32>,
    %swap3A_117 = arith.constant 1 : index
    %swap3A_118 = arith.constant 0 : index
    %swap3A_119 = arith.constant 0 : index
    %swap3A_120 = arith.constant 0 : index
    %swap3A_121 = arith.constant 0 : index
    %swap3A_122 = vector.load %arg6[%swap3A_117, %swap3A_118, %swap3A_119, %swap3A_120, %swap3A_121] : memref<5x1x1x1x8192xf32, #tpu.memory_space<vmem>>, vector<1x1x1x1x8192xf32>
    %swap3A_123 = vector.shape_cast %swap3A_122 : vector<1x1x1x1x8192xf32> to vector<8192xf32>
    %swap3A_124 = vector.shape_cast %convert_element_type3A_88 : vector<8192xf32> to vector<1x1x1x1x8192xf32>
    tpu.vector_store %arg6[%swap3A_117, %swap3A_118, %swap3A_119, %swap3A_120, %swap3A_121], %swap3A_124 {strides = array<i32>} : memref<5x1x1x1x8192xf32, #tpu.memory_space<vmem>>, vector<1x1x1x1x8192xf32>,
    %swap3A_125 = arith.constant 2 : index
    %swap3A_126 = arith.constant 0 : index
    %swap3A_127 = arith.constant 0 : index
    %swap3A_128 = arith.constant 0 : index
    %swap3A_129 = arith.constant 0 : index
    %swap3A_130 = vector.load %arg6[%swap3A_125, %swap3A_126, %swap3A_127, %swap3A_128, %swap3A_129] : memref<5x1x1x1x8192xf32, #tpu.memory_space<vmem>>, vector<1x1x1x1x8192xf32>
    %swap3A_131 = vector.shape_cast %swap3A_130 : vector<1x1x1x1x8192xf32> to vector<8192xf32>
    %swap3A_132 = vector.shape_cast %convert_element_type3A_93 : vector<8192xf32> to vector<1x1x1x1x8192xf32>
    tpu.vector_store %arg6[%swap3A_125, %swap3A_126, %swap3A_127, %swap3A_128, %swap3A_129], %swap3A_132 {strides = array<i32>} : memref<5x1x1x1x8192xf32, #tpu.memory_space<vmem>>, vector<1x1x1x1x8192xf32>,
    %swap3A_133 = arith.constant 3 : index
    %swap3A_134 = arith.constant 0 : index
    %swap3A_135 = arith.constant 0 : index
    %swap3A_136 = arith.constant 0 : index
    %swap3A_137 = arith.constant 0 : index
    %swap3A_138 = vector.load %arg6[%swap3A_133, %swap3A_134, %swap3A_135, %swap3A_136, %swap3A_137] : memref<5x1x1x1x8192xf32, #tpu.memory_space<vmem>>, vector<1x1x1x1x8192xf32>
    %swap3A_139 = vector.shape_cast %swap3A_138 : vector<1x1x1x1x8192xf32> to vector<8192xf32>
    %swap3A_140 = vector.shape_cast %convert_element_type3A_97 : vector<8192xf32> to vector<1x1x1x1x8192xf32>
    tpu.vector_store %arg6[%swap3A_133, %swap3A_134, %swap3A_135, %swap3A_136, %swap3A_137], %swap3A_140 {strides = array<i32>} : memref<5x1x1x1x8192xf32, #tpu.memory_space<vmem>>, vector<1x1x1x1x8192xf32>,
    %swap3A_141 = arith.constant 4 : index
    %swap3A_142 = arith.constant 0 : index
    %swap3A_143 = arith.constant 0 : index
    %swap3A_144 = arith.constant 0 : index
    %swap3A_145 = arith.constant 0 : index
    %swap3A_146 = vector.load %arg6[%swap3A_141, %swap3A_142, %swap3A_143, %swap3A_144, %swap3A_145] : memref<5x1x1x1x8192xf32, #tpu.memory_space<vmem>>, vector<1x1x1x1x8192xf32>
    %swap3A_147 = vector.shape_cast %swap3A_146 : vector<1x1x1x1x8192xf32> to vector<8192xf32>
    %swap3A_148 = vector.shape_cast %convert_element_type3A_102 : vector<8192xf32> to vector<1x1x1x1x8192xf32>
    tpu.vector_store %arg6[%swap3A_141, %swap3A_142, %swap3A_143, %swap3A_144, %swap3A_145], %swap3A_148 {strides = array<i32>} : memref<5x1x1x1x8192xf32, #tpu.memory_space<vmem>>, vector<1x1x1x1x8192xf32>,
    return
  }
  func.func @transform_0(%arg0: i32, %arg1: i32, %arg2: i32) -> (i32, i32, i32, i32) {
    %c0_i32 = arith.constant 0 : i32
    %c0_i32_0 = arith.constant 0 : i32
    return %arg0, %arg1, %c0_i32, %arg2 : i32, i32, i32, i32
  }
  func.func @transform_1(%arg0: i32, %arg1: i32, %arg2: i32) -> (i32, i32, i32, i32) {
    %c0_i32 = arith.constant 0 : i32
    %c0_i32_0 = arith.constant 0 : i32
    return %arg0, %arg1, %c0_i32, %arg2 : i32, i32, i32, i32
  }
  func.func @transform_2(%arg0: i32, %arg1: i32, %arg2: i32) -> (i32, i32, i32, i32) {
    %c0_i32 = arith.constant 0 : i32
    %c0_i32_0 = arith.constant 0 : i32
    return %arg1, %arg0, %c0_i32, %arg2 : i32, i32, i32, i32
  }
  func.func @transform_3(%arg0: i32, %arg1: i32, %arg2: i32) -> (i32, i32, i32, i32, i32) {
    %c0_i32 = arith.constant 0 : i32
    %c0_i32_0 = arith.constant 0 : i32
    %c0_i32_1 = arith.constant 0 : i32
    return %c0_i32, %arg1, %arg0, %c0_i32_0, %arg2 : i32, i32, i32, i32, i32
  }
}

module attributes {stable_mosaic.version = 14 : i64} {
  func.func @_threshold_body(%arg0: memref<8x3x16384xf32, #tpu.memory_space<vmem>>, %arg1: memref<8x3x16384xf32, #tpu.memory_space<vmem>>) attributes {dimension_semantics = [], scalar_prefetch = 0 : i64, scratch_operands = 0 : i64, tpu.core_type = #tpu.core_type<tc>} {
    %get3A = arith.constant 0 : index
    %get3A_0 = arith.constant 0 : index
    %get3A_1 = arith.constant 0 : index
    %get3A_2 = vector.load %arg0[%get3A, %get3A_0, %get3A_1] : memref<8x3x16384xf32, #tpu.memory_space<vmem>>, vector<8x3x16384xf32>
    %bitcast_convert_type3A = tpu.bitcast %get3A_2 : vector<8x3x16384xf32> -> vector<8x3x16384xi32>
    %iota3A = tpu.iota {dimensions = array<i32: 2>} : vector<8x3x16384xi32>
    %broadcast_in_dim3A = arith.constant 0 : i32
    %broadcast_in_dim3A_3 = vector.broadcast %broadcast_in_dim3A : i32 to vector<8x3xi32>
    %broadcast_in_dim3A_4 = arith.constant 1065353216 : i32
    %broadcast_in_dim3A_5 = vector.broadcast %broadcast_in_dim3A_4 : i32 to vector<8x3xi32>
    %scan3A = arith.constant 0 : i32
    %scan3A_6 = arith.constant 31 : i32
    %scan3A_7 = arith.addi %scan3A, %scan3A_6 : i32
    %scan3A_8 = arith.constant 1 : i32
    %scan3A_9:2 = scf.for %scan3A_36 = %scan3A to %scan3A_7 step %scan3A_8 iter_args(%scan3A_37 = %broadcast_in_dim3A_3, %scan3A_38 = %broadcast_in_dim3A_5) -> (vector<8x3xi32>, vector<8x3xi32>)  : i32 {
      %add3A = arith.addi %scan3A_37, %scan3A_38 : vector<8x3xi32>
      %add3A_39 = arith.constant 1 : i32
      %add3A_40 = vector.broadcast %add3A_39 : i32 to vector<8x3xi32>
      %add3A_41 = arith.addi %add3A, %add3A_40 : vector<8x3xi32>
      %shift_right_logical3A = arith.constant 1 : i32
      %shift_right_logical3A_42 = vector.broadcast %shift_right_logical3A : i32 to vector<8x3xi32>
      %shift_right_logical3A_43 = arith.shrui %add3A_41, %shift_right_logical3A_42 : vector<8x3xi32>
      %broadcast_in_dim3A_44 = vector.shape_cast %shift_right_logical3A_43 : vector<8x3xi32> to vector<8x3x1xi32>
      %ge3A = vector.broadcast %broadcast_in_dim3A_44 : vector<8x3x1xi32> to vector<8x3x16384xi32>
      %ge3A_45 = arith.cmpi sge, %bitcast_convert_type3A, %ge3A : vector<8x3x16384xi32>
      %convert_element_type3A_46 = arith.extui %ge3A_45 : vector<8x3x16384xi1> to vector<8x3x16384xi32>
      %reduce_sum3A_47 = arith.constant dense<0> : vector<8x3xi32>
      %reduce_sum3A_48 = vector.multi_reduction <add>, %convert_element_type3A_46, %reduce_sum3A_47 [2] : vector<8x3x16384xi32> to vector<8x3xi32>
      %ge3A_49 = arith.constant 1000 : i32
      %ge3A_50 = vector.broadcast %ge3A_49 : i32 to vector<8x3xi32>
      %ge3A_51 = arith.cmpi sge, %reduce_sum3A_48, %ge3A_50 : vector<8x3xi32>
      %select_n3A_52 = arith.select %ge3A_51, %shift_right_logical3A_43, %scan3A_37 : vector<8x3xi1>, vector<8x3xi32>
      %sub3A_53 = arith.constant 1 : i32
      %sub3A_54 = vector.broadcast %sub3A_53 : i32 to vector<8x3xi32>
      %sub3A_55 = arith.subi %shift_right_logical3A_43, %sub3A_54 : vector<8x3xi32>
      %select_n3A_56 = arith.select %ge3A_51, %scan3A_38, %sub3A_55 : vector<8x3xi1>, vector<8x3xi32>
      scf.yield %select_n3A_52, %select_n3A_56 : vector<8x3xi32>, vector<8x3xi32>
    }
    %broadcast_in_dim3A_10 = vector.shape_cast %scan3A_9#0 : vector<8x3xi32> to vector<8x3x1xi32>
    %gt3A = vector.broadcast %broadcast_in_dim3A_10 : vector<8x3x1xi32> to vector<8x3x16384xi32>
    %gt3A_11 = arith.cmpi sgt, %bitcast_convert_type3A, %gt3A : vector<8x3x16384xi32>
    %broadcast_in_dim3A_12 = vector.shape_cast %scan3A_9#0 : vector<8x3xi32> to vector<8x3x1xi32>
    %eq3A = vector.broadcast %broadcast_in_dim3A_12 : vector<8x3x1xi32> to vector<8x3x16384xi32>
    %eq3A_13 = arith.cmpi eq, %bitcast_convert_type3A, %eq3A : vector<8x3x16384xi32>
    %convert_element_type3A = arith.extui %gt3A_11 : vector<8x3x16384xi1> to vector<8x3x16384xi32>
    %reduce_sum3A = arith.constant dense<0> : vector<8x3xi32>
    %reduce_sum3A_14 = vector.multi_reduction <add>, %convert_element_type3A, %reduce_sum3A [2] : vector<8x3x16384xi32> to vector<8x3xi32>
    %sub3A = arith.constant 1000 : i32
    %sub3A_15 = vector.broadcast %sub3A : i32 to vector<8x3xi32>
    %sub3A_16 = arith.subi %sub3A_15, %reduce_sum3A_14 : vector<8x3xi32>
    %broadcast_in_dim3A_17 = arith.constant 0 : i32
    %broadcast_in_dim3A_18 = vector.broadcast %broadcast_in_dim3A_17 : i32 to vector<8x3xi32>
    %broadcast_in_dim3A_19 = arith.constant 16384 : i32
    %broadcast_in_dim3A_20 = vector.broadcast %broadcast_in_dim3A_19 : i32 to vector<8x3xi32>
    %scan3A_21 = arith.constant 0 : i32
    %scan3A_22 = arith.constant 15 : i32
    %scan3A_23 = arith.addi %scan3A_21, %scan3A_22 : i32
    %scan3A_24 = arith.constant 1 : i32
    %scan3A_25:2 = scf.for %scan3A_36 = %scan3A_21 to %scan3A_23 step %scan3A_24 iter_args(%scan3A_37 = %broadcast_in_dim3A_18, %scan3A_38 = %broadcast_in_dim3A_20) -> (vector<8x3xi32>, vector<8x3xi32>)  : i32 {
      %add3A = arith.addi %scan3A_37, %scan3A_38 : vector<8x3xi32>
      %shift_right_logical3A = arith.constant 1 : i32
      %shift_right_logical3A_39 = vector.broadcast %shift_right_logical3A : i32 to vector<8x3xi32>
      %shift_right_logical3A_40 = arith.shrui %add3A, %shift_right_logical3A_39 : vector<8x3xi32>
      %broadcast_in_dim3A_41 = vector.shape_cast %shift_right_logical3A_40 : vector<8x3xi32> to vector<8x3x1xi32>
      %lt3A_42 = vector.broadcast %broadcast_in_dim3A_41 : vector<8x3x1xi32> to vector<8x3x16384xi32>
      %lt3A_43 = arith.cmpi slt, %iota3A, %lt3A_42 : vector<8x3x16384xi32>
      %and3A_44 = arith.andi %eq3A_13, %lt3A_43 : vector<8x3x16384xi1>
      %convert_element_type3A_45 = arith.extui %and3A_44 : vector<8x3x16384xi1> to vector<8x3x16384xi32>
      %reduce_sum3A_46 = arith.constant dense<0> : vector<8x3xi32>
      %reduce_sum3A_47 = vector.multi_reduction <add>, %convert_element_type3A_45, %reduce_sum3A_46 [2] : vector<8x3x16384xi32> to vector<8x3xi32>
      %ge3A = arith.cmpi sge, %reduce_sum3A_47, %sub3A_16 : vector<8x3xi32>
      %add3A_48 = arith.constant 1 : i32
      %add3A_49 = vector.broadcast %add3A_48 : i32 to vector<8x3xi32>
      %add3A_50 = arith.addi %shift_right_logical3A_40, %add3A_49 : vector<8x3xi32>
      %select_n3A_51 = arith.select %ge3A, %scan3A_37, %add3A_50 : vector<8x3xi1>, vector<8x3xi32>
      %select_n3A_52 = arith.select %ge3A, %shift_right_logical3A_40, %scan3A_38 : vector<8x3xi1>, vector<8x3xi32>
      scf.yield %select_n3A_51, %select_n3A_52 : vector<8x3xi32>, vector<8x3xi32>
    }
    %broadcast_in_dim3A_26 = vector.shape_cast %scan3A_25#1 : vector<8x3xi32> to vector<8x3x1xi32>
    %lt3A = vector.broadcast %broadcast_in_dim3A_26 : vector<8x3x1xi32> to vector<8x3x16384xi32>
    %lt3A_27 = arith.cmpi slt, %iota3A, %lt3A : vector<8x3x16384xi32>
    %and3A = arith.andi %eq3A_13, %lt3A_27 : vector<8x3x16384xi1>
    %or3A = arith.ori %gt3A_11, %and3A : vector<8x3x16384xi1>
    %gt3A_28 = arith.constant 5.000000e-02 : f32
    %gt3A_29 = vector.broadcast %gt3A_28 : f32 to vector<8x3x16384xf32>
    %gt3A_30 = arith.cmpf ogt, %get3A_2, %gt3A_29 : vector<8x3x16384xf32>
    %and3A_31 = arith.andi %or3A, %gt3A_30 : vector<8x3x16384xi1>
    %jit3A = arith.constant -1.000000e+00 : f32
    %broadcast_in_dim3A_32 = vector.broadcast %jit3A : f32 to vector<8x3x16384xf32>
    %select_n3A = arith.select %and3A_31, %get3A_2, %broadcast_in_dim3A_32 : vector<8x3x16384xi1>, vector<8x3x16384xf32>
    %swap3A = arith.constant 0 : index
    %swap3A_33 = arith.constant 0 : index
    %swap3A_34 = arith.constant 0 : index
    %swap3A_35 = vector.load %arg1[%swap3A, %swap3A_33, %swap3A_34] : memref<8x3x16384xf32, #tpu.memory_space<vmem>>, vector<8x3x16384xf32>
    tpu.vector_store %arg1[%swap3A, %swap3A_33, %swap3A_34], %select_n3A {strides = array<i32>} : memref<8x3x16384xf32, #tpu.memory_space<vmem>>, vector<8x3x16384xf32>,
    return
  }
}

module attributes {stable_mosaic.version = 14 : i64} {
  func.func @_nms_body(%arg0: memref<6x8x3072xf32, #tpu.memory_space<vmem>>, %arg1: memref<100x8xf32, #tpu.memory_space<vmem>>, %arg2: memref<100x8xf32, #tpu.memory_space<vmem>>, %arg3: memref<100x8x4xf32, #tpu.memory_space<vmem>>, %arg4: memref<8x3072xf32, #tpu.memory_space<vmem>>, %arg5: memref<8x3072xf32, #tpu.memory_space<vmem>>) attributes {dimension_semantics = [], scalar_prefetch = 0 : i64, scratch_operands = 2 : i64, tpu.core_type = #tpu.core_type<tc>} {
    %get3A = arith.constant 1 : index
    %get3A_0 = arith.constant 0 : index
    %get3A_1 = arith.constant 0 : index
    %get3A_2 = vector.load %arg0[%get3A, %get3A_0, %get3A_1] : memref<6x8x3072xf32, #tpu.memory_space<vmem>>, vector<1x8x3072xf32>
    %get3A_3 = vector.shape_cast %get3A_2 : vector<1x8x3072xf32> to vector<8x3072xf32>
    %get3A_4 = arith.constant 2 : index
    %get3A_5 = arith.constant 0 : index
    %get3A_6 = arith.constant 0 : index
    %get3A_7 = vector.load %arg0[%get3A_4, %get3A_5, %get3A_6] : memref<6x8x3072xf32, #tpu.memory_space<vmem>>, vector<1x8x3072xf32>
    %get3A_8 = vector.shape_cast %get3A_7 : vector<1x8x3072xf32> to vector<8x3072xf32>
    %get3A_9 = arith.constant 3 : index
    %get3A_10 = arith.constant 0 : index
    %get3A_11 = arith.constant 0 : index
    %get3A_12 = vector.load %arg0[%get3A_9, %get3A_10, %get3A_11] : memref<6x8x3072xf32, #tpu.memory_space<vmem>>, vector<1x8x3072xf32>
    %get3A_13 = vector.shape_cast %get3A_12 : vector<1x8x3072xf32> to vector<8x3072xf32>
    %get3A_14 = arith.constant 4 : index
    %get3A_15 = arith.constant 0 : index
    %get3A_16 = arith.constant 0 : index
    %get3A_17 = vector.load %arg0[%get3A_14, %get3A_15, %get3A_16] : memref<6x8x3072xf32, #tpu.memory_space<vmem>>, vector<1x8x3072xf32>
    %get3A_18 = vector.shape_cast %get3A_17 : vector<1x8x3072xf32> to vector<8x3072xf32>
    %get3A_19 = arith.constant 5 : index
    %get3A_20 = arith.constant 0 : index
    %get3A_21 = arith.constant 0 : index
    %get3A_22 = vector.load %arg0[%get3A_19, %get3A_20, %get3A_21] : memref<6x8x3072xf32, #tpu.memory_space<vmem>>, vector<1x8x3072xf32>
    %get3A_23 = vector.shape_cast %get3A_22 : vector<1x8x3072xf32> to vector<8x3072xf32>
    %get3A_24 = arith.constant 0 : index
    %get3A_25 = arith.constant 0 : index
    %get3A_26 = arith.constant 0 : index
    %get3A_27 = vector.load %arg0[%get3A_24, %get3A_25, %get3A_26] : memref<6x8x3072xf32, #tpu.memory_space<vmem>>, vector<1x8x3072xf32>
    %get3A_28 = vector.shape_cast %get3A_27 : vector<1x8x3072xf32> to vector<8x3072xf32>
    %swap3A = arith.constant 0 : index
    %swap3A_29 = arith.constant 0 : index
    %swap3A_30 = vector.load %arg4[%swap3A, %swap3A_29] : memref<8x3072xf32, #tpu.memory_space<vmem>>, vector<8x3072xf32>
    tpu.vector_store %arg4[%swap3A, %swap3A_29], %get3A_28 {strides = array<i32>} : memref<8x3072xf32, #tpu.memory_space<vmem>>, vector<8x3072xf32>,
    %sub3A = arith.subf %get3A_18, %get3A_8 : vector<8x3072xf32>
    %sub3A_31 = arith.subf %get3A_23, %get3A_13 : vector<8x3072xf32>
    %mul3A = arith.mulf %sub3A, %sub3A_31 : vector<8x3072xf32>
    %mul3A_32 = arith.constant 5.000000e-01 : f32
    %mul3A_33 = vector.broadcast %mul3A_32 : f32 to vector<8x3072xf32>
    %mul3A_34 = arith.mulf %mul3A_33, %mul3A : vector<8x3072xf32>
    %swap3A_35 = arith.constant 0 : index
    %swap3A_36 = arith.constant 0 : index
    %swap3A_37 = vector.load %arg5[%swap3A_35, %swap3A_36] : memref<8x3072xf32, #tpu.memory_space<vmem>>, vector<8x3072xf32>
    tpu.vector_store %arg5[%swap3A_35, %swap3A_36], %mul3A_34 {strides = array<i32>} : memref<8x3072xf32, #tpu.memory_space<vmem>>, vector<8x3072xf32>,
    %iota3A = tpu.iota {dimensions = array<i32: 1>} : vector<8x3072xi32>
    %scan3A = arith.constant 0 : i32
    %scan3A_38 = arith.constant 100 : i32
    %scan3A_39 = arith.addi %scan3A, %scan3A_38 : i32
    %scan3A_40 = arith.constant 1 : i32
    scf.for %scan3A_42 = %scan3A to %scan3A_39 step %scan3A_40  : i32 {
      %get3A_43 = arith.constant 0 : index
      %get3A_44 = arith.constant 0 : index
      %get3A_45 = vector.load %arg4[%get3A_43, %get3A_44] : memref<8x3072xf32, #tpu.memory_space<vmem>>, vector<8x3072xf32>
      %reduce_max3A = arith.constant dense<0xFF800000> : vector<8xf32>
      %reduce_max3A_46 = vector.multi_reduction <maximumf>, %get3A_45, %reduce_max3A [1] : vector<8x3072xf32> to vector<8xf32>
      %argmax3A = tpu.reduce_index %get3A_45 {axis = 1 : i32, kind = #tpu.reduction_kind<arg_max>} : vector<8x3072xf32> -> vector<8xi32>
      %gt3A = arith.constant 0.000000e+00 : f32
      %gt3A_47 = vector.broadcast %gt3A : f32 to vector<8xf32>
      %gt3A_48 = arith.cmpf ogt, %reduce_max3A_46, %gt3A_47 : vector<8xf32>
      %broadcast_in_dim3A = vector.shape_cast %argmax3A : vector<8xi32> to vector<8x1xi32>
      %eq3A = vector.broadcast %broadcast_in_dim3A : vector<8x1xi32> to vector<8x3072xi32>
      %eq3A_49 = arith.cmpi eq, %iota3A, %eq3A : vector<8x3072xi32>
      %jit3A = arith.constant -1.000000e+30 : f32
      %broadcast_in_dim3A_50 = vector.broadcast %jit3A : f32 to vector<8x3072xf32>
      %select_n3A = arith.select %eq3A_49, %get3A_8, %broadcast_in_dim3A_50 : vector<8x3072xi1>, vector<8x3072xf32>
      %reduce_max3A_51 = arith.constant dense<0xFF800000> : vector<8xf32>
      %reduce_max3A_52 = vector.multi_reduction <maximumf>, %select_n3A, %reduce_max3A_51 [1] : vector<8x3072xf32> to vector<8xf32>
      %jit3A_53 = arith.constant -1.000000e+30 : f32
      %broadcast_in_dim3A_54 = vector.broadcast %jit3A_53 : f32 to vector<8x3072xf32>
      %select_n3A_55 = arith.select %eq3A_49, %get3A_13, %broadcast_in_dim3A_54 : vector<8x3072xi1>, vector<8x3072xf32>
      %reduce_max3A_56 = arith.constant dense<0xFF800000> : vector<8xf32>
      %reduce_max3A_57 = vector.multi_reduction <maximumf>, %select_n3A_55, %reduce_max3A_56 [1] : vector<8x3072xf32> to vector<8xf32>
      %jit3A_58 = arith.constant -1.000000e+30 : f32
      %broadcast_in_dim3A_59 = vector.broadcast %jit3A_58 : f32 to vector<8x3072xf32>
      %select_n3A_60 = arith.select %eq3A_49, %get3A_18, %broadcast_in_dim3A_59 : vector<8x3072xi1>, vector<8x3072xf32>
      %reduce_max3A_61 = arith.constant dense<0xFF800000> : vector<8xf32>
      %reduce_max3A_62 = vector.multi_reduction <maximumf>, %select_n3A_60, %reduce_max3A_61 [1] : vector<8x3072xf32> to vector<8xf32>
      %jit3A_63 = arith.constant -1.000000e+30 : f32
      %broadcast_in_dim3A_64 = vector.broadcast %jit3A_63 : f32 to vector<8x3072xf32>
      %select_n3A_65 = arith.select %eq3A_49, %get3A_23, %broadcast_in_dim3A_64 : vector<8x3072xi1>, vector<8x3072xf32>
      %reduce_max3A_66 = arith.constant dense<0xFF800000> : vector<8xf32>
      %reduce_max3A_67 = vector.multi_reduction <maximumf>, %select_n3A_65, %reduce_max3A_66 [1] : vector<8x3072xf32> to vector<8xf32>
      %jit3A_68 = arith.constant -1.000000e+30 : f32
      %broadcast_in_dim3A_69 = vector.broadcast %jit3A_68 : f32 to vector<8x3072xf32>
      %select_n3A_70 = arith.select %eq3A_49, %get3A_3, %broadcast_in_dim3A_69 : vector<8x3072xi1>, vector<8x3072xf32>
      %reduce_max3A_71 = arith.constant dense<0xFF800000> : vector<8xf32>
      %reduce_max3A_72 = vector.multi_reduction <maximumf>, %select_n3A_70, %reduce_max3A_71 [1] : vector<8x3072xf32> to vector<8xf32>
      %jit3A_73 = arith.constant -1.000000e+00 : f32
      %broadcast_in_dim3A_74 = vector.broadcast %jit3A_73 : f32 to vector<8xf32>
      %select_n3A_75 = arith.select %gt3A_48, %reduce_max3A_46, %broadcast_in_dim3A_74 : vector<8xi1>, vector<8xf32>
      %broadcast_in_dim3A_76 = vector.shape_cast %select_n3A_75 : vector<8xf32> to vector<1x8xf32>
      %swap3A_77 = arith.index_cast %scan3A_42 : i32 to index
      %swap3A_78 = arith.constant 0 : index
      %swap3A_79 = vector.load %arg1[%swap3A_77, %swap3A_78] : memref<100x8xf32, #tpu.memory_space<vmem>>, vector<1x8xf32>
      tpu.vector_store %arg1[%swap3A_77, %swap3A_78], %broadcast_in_dim3A_76 {strides = array<i32>} : memref<100x8xf32, #tpu.memory_space<vmem>>, vector<1x8xf32>,
      %jit3A_80 = arith.constant -1.000000e+00 : f32
      %broadcast_in_dim3A_81 = vector.broadcast %jit3A_80 : f32 to vector<8xf32>
      %select_n3A_82 = arith.select %gt3A_48, %reduce_max3A_72, %broadcast_in_dim3A_81 : vector<8xi1>, vector<8xf32>
      %broadcast_in_dim3A_83 = vector.shape_cast %select_n3A_82 : vector<8xf32> to vector<1x8xf32>
      %swap3A_84 = arith.index_cast %scan3A_42 : i32 to index
      %swap3A_85 = arith.constant 0 : index
      %swap3A_86 = vector.load %arg2[%swap3A_84, %swap3A_85] : memref<100x8xf32, #tpu.memory_space<vmem>>, vector<1x8xf32>
      tpu.vector_store %arg2[%swap3A_84, %swap3A_85], %broadcast_in_dim3A_83 {strides = array<i32>} : memref<100x8xf32, #tpu.memory_space<vmem>>, vector<1x8xf32>,
      %stack3A = vector.shape_cast %reduce_max3A_52 : vector<8xf32> to vector<8x1xf32>
      %stack3A_87 = vector.shape_cast %reduce_max3A_57 : vector<8xf32> to vector<8x1xf32>
      %stack3A_88 = vector.shape_cast %reduce_max3A_62 : vector<8xf32> to vector<8x1xf32>
      %stack3A_89 = vector.shape_cast %reduce_max3A_67 : vector<8xf32> to vector<8x1xf32>
      %stack3A_90 = tpu.concatenate %stack3A, %stack3A_87, %stack3A_88, %stack3A_89 in 1 : vector<8x1xf32>, vector<8x1xf32>, vector<8x1xf32>, vector<8x1xf32> -> vector<8x4xf32>
      %broadcast_in_dim3A_91 = vector.shape_cast %gt3A_48 : vector<8xi1> to vector<8x1xi1>
      %jit3A_92 = arith.constant -1.000000e+00 : f32
      %broadcast_in_dim3A_93 = vector.shape_cast %broadcast_in_dim3A_91 : vector<8x1xi1> to vector<8x1xi1>
      %broadcast_in_dim3A_94 = vector.broadcast %broadcast_in_dim3A_93 : vector<8x1xi1> to vector<8x4xi1>
      %broadcast_in_dim3A_95 = vector.broadcast %jit3A_92 : f32 to vector<8x4xf32>
      %select_n3A_96 = arith.select %broadcast_in_dim3A_94, %stack3A_90, %broadcast_in_dim3A_95 : vector<8x4xi1>, vector<8x4xf32>
      %broadcast_in_dim3A_97 = vector.shape_cast %select_n3A_96 : vector<8x4xf32> to vector<1x8x4xf32>
      %swap3A_98 = arith.index_cast %scan3A_42 : i32 to index
      %swap3A_99 = arith.constant 0 : index
      %swap3A_100 = arith.constant 0 : index
      %swap3A_101 = vector.load %arg3[%swap3A_98, %swap3A_99, %swap3A_100] : memref<100x8x4xf32, #tpu.memory_space<vmem>>, vector<1x8x4xf32>
      tpu.vector_store %arg3[%swap3A_98, %swap3A_99, %swap3A_100], %broadcast_in_dim3A_97 {strides = array<i32>} : memref<100x8x4xf32, #tpu.memory_space<vmem>>, vector<1x8x4xf32>,
      %sub3A_102 = arith.subf %reduce_max3A_62, %reduce_max3A_52 : vector<8xf32>
      %sub3A_103 = arith.subf %reduce_max3A_67, %reduce_max3A_57 : vector<8xf32>
      %mul3A_104 = arith.mulf %sub3A_102, %sub3A_103 : vector<8xf32>
      %add3A = arith.constant 9.99999971E-10 : f32
      %add3A_105 = vector.broadcast %add3A : f32 to vector<8xf32>
      %add3A_106 = arith.addf %mul3A_104, %add3A_105 : vector<8xf32>
      %broadcast_in_dim3A_107 = vector.shape_cast %reduce_max3A_52 : vector<8xf32> to vector<8x1xf32>
      %max3A = vector.broadcast %broadcast_in_dim3A_107 : vector<8x1xf32> to vector<8x3072xf32>
      %max3A_108 = arith.maximumf %get3A_8, %max3A : vector<8x3072xf32>
      %broadcast_in_dim3A_109 = vector.shape_cast %reduce_max3A_57 : vector<8xf32> to vector<8x1xf32>
      %max3A_110 = vector.broadcast %broadcast_in_dim3A_109 : vector<8x1xf32> to vector<8x3072xf32>
      %max3A_111 = arith.maximumf %get3A_13, %max3A_110 : vector<8x3072xf32>
      %broadcast_in_dim3A_112 = vector.shape_cast %reduce_max3A_62 : vector<8xf32> to vector<8x1xf32>
      %min3A = vector.broadcast %broadcast_in_dim3A_112 : vector<8x1xf32> to vector<8x3072xf32>
      %min3A_113 = arith.minimumf %get3A_18, %min3A : vector<8x3072xf32>
      %broadcast_in_dim3A_114 = vector.shape_cast %reduce_max3A_67 : vector<8xf32> to vector<8x1xf32>
      %min3A_115 = vector.broadcast %broadcast_in_dim3A_114 : vector<8x1xf32> to vector<8x3072xf32>
      %min3A_116 = arith.minimumf %get3A_23, %min3A_115 : vector<8x3072xf32>
      %sub3A_117 = arith.subf %min3A_113, %max3A_108 : vector<8x3072xf32>
      %max3A_118 = arith.constant 0.000000e+00 : f32
      %max3A_119 = vector.broadcast %max3A_118 : f32 to vector<8x3072xf32>
      %max3A_120 = arith.maximumf %sub3A_117, %max3A_119 : vector<8x3072xf32>
      %sub3A_121 = arith.subf %min3A_116, %max3A_111 : vector<8x3072xf32>
      %max3A_122 = arith.constant 0.000000e+00 : f32
      %max3A_123 = vector.broadcast %max3A_122 : f32 to vector<8x3072xf32>
      %max3A_124 = arith.maximumf %sub3A_121, %max3A_123 : vector<8x3072xf32>
      %mul3A_125 = arith.mulf %max3A_120, %max3A_124 : vector<8x3072xf32>
      %get3A_126 = arith.constant 0 : index
      %get3A_127 = arith.constant 0 : index
      %get3A_128 = vector.load %arg5[%get3A_126, %get3A_127] : memref<8x3072xf32, #tpu.memory_space<vmem>>, vector<8x3072xf32>
      %mul3A_129 = arith.constant 5.000000e-01 : f32
      %mul3A_130 = vector.broadcast %mul3A_129 : f32 to vector<8xf32>
      %mul3A_131 = arith.mulf %mul3A_130, %add3A_106 : vector<8xf32>
      %broadcast_in_dim3A_132 = vector.shape_cast %mul3A_131 : vector<8xf32> to vector<8x1xf32>
      %add3A_133 = vector.broadcast %broadcast_in_dim3A_132 : vector<8x1xf32> to vector<8x3072xf32>
      %add3A_134 = arith.addf %get3A_128, %add3A_133 : vector<8x3072xf32>
      %mul3A_135 = arith.constant 1.500000e+00 : f32
      %mul3A_136 = vector.broadcast %mul3A_135 : f32 to vector<8x3072xf32>
      %mul3A_137 = arith.mulf %mul3A_136, %mul3A_125 : vector<8x3072xf32>
      %gt3A_138 = arith.cmpf ogt, %mul3A_137, %add3A_134 : vector<8x3072xf32>
      %or3A = arith.ori %gt3A_138, %eq3A_49 : vector<8x3072xi1>
      %broadcast_in_dim3A_139 = vector.shape_cast %gt3A_48 : vector<8xi1> to vector<8x1xi1>
      %and3A = vector.broadcast %broadcast_in_dim3A_139 : vector<8x1xi1> to vector<8x3072xi1>
      %and3A_140 = arith.andi %or3A, %and3A : vector<8x3072xi1>
      %jit3A_141 = arith.constant -1.000000e+00 : f32
      %broadcast_in_dim3A_142 = vector.broadcast %jit3A_141 : f32 to vector<8x3072xf32>
      %select_n3A_143 = arith.select %and3A_140, %broadcast_in_dim3A_142, %get3A_45 : vector<8x3072xi1>, vector<8x3072xf32>
      %swap3A_144 = arith.constant 0 : index
      %swap3A_145 = arith.constant 0 : index
      %swap3A_146 = vector.load %arg4[%swap3A_144, %swap3A_145] : memref<8x3072xf32, #tpu.memory_space<vmem>>, vector<8x3072xf32>
      tpu.vector_store %arg4[%swap3A_144, %swap3A_145], %select_n3A_143 {strides = array<i32>} : memref<8x3072xf32, #tpu.memory_space<vmem>>, vector<8x3072xf32>,
    }
    %scan3A_41 = arith.constant 100 : i32
    return
  }
}

</mosaic_0001>

<sc_bundles>
// kernel: kernel.6.cloned.1.call-start
scs
__scs_entry_jumppad:
0x0: {  	(pc) =	sbr.rel $0x88, $3  }
0x1: {  	(tag) =	ssettag $0x0;
	lr =	simm.s32 $0x1  }
0x2: {  	[smem:$0x3F9D] =	sst lr;
	_ =	strace $0xD0000000  }
0x3: {  	_ = 	snop  }
0x4: {  	_ = 	snop  }
0x5: {  	_ = 	snop  }
0x6: {  	_ = 	snop  }
0x7: {  	_ = 	snop  }
__scs_overlays_trampoline_lowered:
0x8: {  	[smem:$0x3FAC] =	sst s0  }
0x9: {  	[smem:$0x3FAD] =	sst s1  }
0xa: {  	[smem:$0x3FAE] =	sst s2  }
0xb: {  	[smem:$0x3FAF] =	sst s3  }
0xc: {  	[smem:$0x3FB0] =	sst s4  }
0xd: {  	[smem:$0x3FB1] =	sst s5  }
0xe: {  	[smem:$0x3FB2] =	sst s6  }
0xf: {  	[smem:$0x3FB3] =	sst s7  }
0x10: {  	[smem:$0x3FB4] =	sst s8  }
0x11: {  	[smem:$0x3FB5] =	sst s9;
	s0 =	simm.s32 @!p0 $0x0  }
0x12: {  	s1 =	sld [smem:$0x3F9B];
	s0 =	simm.s32 @p0 $0x1  }
0x13: {  	[smem:$0x3FB6] =	sst s0;
	s0 =	simm.s32 @!p1 $0x0  }
0x14: {  	s2 =	sld [smem:$0x3F9A];
	s0 =	simm.s32 @p1 $0x1  }
0x15: {  	[smem:$0x3FB7] =	sst s0;
	s0 =	simm.s32 @!p2 $0x0  }
0x16: {  	s3 =	sld [smem:$0x3FDB];
	s0 =	simm.s32 @p2 $0x1  }
0x17: {  	s4 =	simm.s32 $0x1BF5;
	[smem:$0x3FB9] =	sst s0  }
0x18: {  	s0 =	sld [smem:$0x3F9C];
	_ =	swait.ge [sflag:s4], $0x0  }
0x19: {  	s7 =	sld [smem:$0x3F9D]  }
0x1a: {  	s8 =	sadd.s32 $0xFFFFE003, lr  }
0x1b: {  	s9 =	sadd.s32 $0xFFFFFEF7, lr;
	s5 =	simm.s32 $0xFFFFFFFF;
	p2 =	slt.u32 s8, $0xFFFFF086  }
0x1c: {  	p1 =	slt.u32 s9, $0xF7A;
	s5 =	simm.s32 @!p2 $0x0  }
0x1d: {  	s5 =	simm.s32 @p1 $0x1;
	p0 =	seq.s32 s7, s2  }
0x1e: {  	s7 =	smul.u32 @!p0 $0xF7A, s2;
	p2 =	seq.s32 @!p0 s5, $0x0  }
0x1f: {  	s9 =	smul.u32 $0xF7A, s1;
	s8 =	simm.s32 @!p0 $0x1BF5;
	p2 =	por !p2, p0  }
0x20: {  	[sflag:s8] =	ssyncset.s32 @!p0 $0xFFFFF086;
	s6 =	sadd.s32 @!p0 s3, s7;
	s7 =	simm.s32 @!p0 $0x108  }
0x21: {  	s3 =	sadd.s32 s3, s9;
	s6 =	sadd.s32 @!p0 $0x88, s6;
	s7 =	simm.s32 @p2 $0x1082  }
0x22: {  	[simem:s7], [sflag:s8] =	dma.local @!p0 [hbm:s6], $0xF7A  }
0x23: {  	s9 =	sor.u32 $0xD0000000, s2;
	s6 =	simm.s32 $0x108;
	_ =	swait.ge @!p0 [sflag:s8], $0x0  }
0x24: {  	s3 =	sadd.s32 $0x88, s3;
	s6 =	simm.s32 @!p1 $0x1082;
	[sflag:s4] =	ssyncset.s32 $0xFFFFF086  }
0x25: {  	[simem:s6], [sflag:s4] =	dma.local [hbm:s3], $0xF7A  }
0x26: {  	[smem:$0x3F9D] =	sst s1;
	(tag) =	ssettag s2;
	_ =	strace s9  }
0x27: {  	s1 =	sld [smem:$0x3FAD]  }
0x28: {  	s2 =	sld [smem:$0x3FAE]  }
0x29: {  	s4 =	sld [smem:$0x3FB0]  }
0x2a: {  	p0 =	seq.s32 s5, $0x0;
	s5 =	sld [smem:$0x3FB1]  }
0x2b: {  	s6 =	sld [smem:$0x3FB2]  }
0x2c: {  	s7 =	sld [smem:$0x3FB3]  }
0x2d: {  	s3 =	simm.s32 $0x108;
	s8 =	sld [smem:$0x3FB4]  }
0x2e: {  	s3 =	simm.s32 @!p0 $0x1082;
	s9 =	sld [smem:$0x3FB5]  }
0x2f: {  	lr =	sadd.s32 s0, s3;
	s0 =	sld [smem:$0x3FAC]  }
0x30: {  	s3 =	sld [smem:$0x3FAF]  }
0x31: {  	[smem:$0x3FB8] =	sst s10  }
0x32: {  	s10 =	sld [smem:$0x3FB6];
	_ =	sdelay $0x3  }
0x33: {  	p0 =	seq.s32 s10, $0x1;
	s10 =	sld [smem:$0x3FB8];
	_ =	sdelay $0x3  }
0x34: {  	[smem:$0x3FB8] =	sst s10  }
0x35: {  	s10 =	sld [smem:$0x3FB7];
	_ =	sdelay $0x3  }
0x36: {  	p1 =	seq.s32 s10, $0x1;
	s10 =	sld [smem:$0x3FB8];
	_ =	sdelay $0x3  }
0x37: {  	[smem:$0x3FB8] =	sst s10  }
0x38: {  	s10 =	sld [smem:$0x3FB9]  }
0x39: {  	_ = 	snop;
	(pc) =	sbr.ind lr, $3  }
0x3a: {  	_ = 	snop  }
0x3b: {  	_ = 	snop  }
0x3c: {  	p2 =	seq.s32 s10, $0x1;
	s10 =	sld [smem:$0x3FB8]  }
0x3d: {  	_ =	shalt  }
0x3e: {  	_ =	shalt  }
0x3f: {  	_ =	shalt  }
0x40: {  	_ =	shalt  }
0x41: {  	_ =	shalt  }
0x42: {  	_ =	shalt  }
0x43: {  	_ =	shalt  }
0x44: {  	_ =	shalt  }
0x45: {  	_ =	shalt  }
0x46: {  	_ =	shalt  }
0x47: {  	_ =	shalt  }
0x48: {  	_ =	shalt  }
0x49: {  	_ =	shalt  }
0x4a: {  	_ =	shalt  }
0x4b: {  	_ =	shalt  }
0x4c: {  	_ =	shalt  }
0x4d: {  	_ =	shalt  }
0x4e: {  	_ =	shalt  }
0x4f: {  	_ =	shalt  }
0x50: {  	_ =	shalt  }
0x51: {  	_ =	shalt  }
0x52: {  	_ =	shalt  }
0x53: {  	_ =	shalt  }
0x54: {  	_ =	shalt  }
0x55: {  	_ =	shalt  }
0x56: {  	_ =	shalt  }
0x57: {  	_ =	shalt  }
0x58: {  	_ =	shalt  }
0x59: {  	_ =	shalt  }
0x5a: {  	_ =	shalt  }
0x5b: {  	_ =	shalt  }
0x5c: {  	_ =	shalt  }
0x5d: {  	_ =	shalt  }
0x5e: {  	_ =	shalt  }
0x5f: {  	_ =	shalt  }
0x60: {  	_ =	shalt  }
0x61: {  	_ =	shalt  }
0x62: {  	_ =	shalt  }
0x63: {  	_ =	shalt  }
0x64: {  	_ =	shalt  }
0x65: {  	_ =	shalt  }
0x66: {  	_ =	shalt  }
0x67: {  	_ =	shalt  }
0x68: {  	_ =	shalt  }
0x69: {  	_ =	shalt  }
0x6a: {  	_ =	shalt  }
0x6b: {  	_ =	shalt  }
0x6c: {  	_ =	shalt  }
0x6d: {  	_ =	shalt  }
0x6e: {  	_ =	shalt  }
0x6f: {  	_ =	shalt  }
0x70: {  	_ =	shalt  }
0x71: {  	_ =	shalt  }
0x72: {  	_ =	shalt  }
0x73: {  	_ =	shalt  }
0x74: {  	_ =	shalt  }
0x75: {  	_ =	shalt  }
0x76: {  	_ =	shalt  }
0x77: {  	_ =	shalt  }
0x78: {  	_ =	shalt  }
0x79: {  	_ =	shalt  }
0x7a: {  	_ =	shalt  }
0x7b: {  	_ =	shalt  }
0x7c: {  	_ =	shalt  }
0x7d: {  	_ =	shalt  }
0x7e: {  	_ =	shalt  }
0x7f: {  	_ =	shalt  }
0x80: {  	_ =	shalt  }
0x81: {  	_ =	shalt  }
0x82: {  	_ =	shalt  }
0x83: {  	_ =	shalt  }
0x84: {  	_ =	shalt  }
0x85: {  	_ =	shalt  }
0x86: {  	_ =	shalt  }
0x87: {  	_ =	shalt  }
.Lfunc_end0:
.L_simem_size_0:
called_computation_lowered:
.L_overlay_start_0:
0x88: {  	s2 =	sld [smem:$0x3FD9]  }
0x89: {  	s3 =	sld [smem:$0x3FFE];
	_ =	sdelay $0x1  }
0x8a: {  	s1 =	srdreg.scid  }
0x8b: {  	s0 =	sand.u32 $0x1, s1  }
0x8c: {  	s16 =	sshll.u32 s0, $0xA;
	s2 =	sadd.s32 s3, s2  }
0x8d: {  	s2 =	sadd.s32 s2, s16  }
0x8e: {  	[smem:$0x3FC4] =	sst s2  }
0x8f: {  	_ = 	snop  }
0x90: {  	(tm) =	ssettm $0x1  }
0x91: {  	s17 =	sld [smem:$0x3FFB];
	_ =	sdelay $0x3  }
0x92: {  	_ =	strace s17  }
0x93: {  	s2 =	sld [smem:$0x3FFC];
	_ =	sdelay $0x3  }
0x94: {  	_ =	strace s2  }
0x95: {  	s2 =	sld [smem:$0x3FFD];
	_ =	sdelay $0x3  }
0x96: {  	_ =	strace s2  }
0x97: {  	_ =	strace $0x8FFFFFFF  }
0x98: {  	s18 =	sld [smem:$0x3FDB];
	_ =	sdelay $0x1  }
0x99: {  	s19 =	simm.s32 $_scs_section_size  }
0x9a: {  	s4 =	simm.s32 $_size__tile_overlayer_lowered;
	s5 =	simm.s32 $_tile_overlayer_lowered  }
0x9b: {  	s22 =	simm.s32 $0x1BFF;
	s21 =	sshll.u32 s5, $0x1;
	s2 =	sadd.s32 s19, s18  }
0x9c: {  	s6 =	simm.s32 $0x0;
	s20 =	sshll.u32 s4, $0x1;
	s4 =	sadd.s32 s21, s2  }
0x9d: {  	[timem:s6], [sflag:s22] =	dma.local [hbm:s4], s20  }
0x9e: {  	_ =	swait.ge [sflag:s22], s20  }
0x9f: {  	s3 =	ssub.s32 $0x0, s20;
	[sflag:s22] =	ssyncset.done $0x0  }
0xa0: {  	[sflag:s22] =	ssyncadd.s32 s3;
	_ =	sdelay $0x1  }
0xa1: {  	s23 =	simm.s32 $0x1B8B  }
0xa2: {  	_ =	swait.ge [sflag:s23], $0x1  }
0xa3: {  	[sflag:s23] =	ssyncset.done $0x0  }
0xa4: {  	s25 =	simm.s32 $0x1B8E;
	s24 =	sld [smem:$0x3FFE];
	[sflag:s23] =	ssyncadd.s32 $0xFFFFFFFF  }
0xa5: {  	s26 =	simm.s32 $execute0_lowered;
	[smem:$0x3FD2] =	sst s25  }
0xa6: {  	s4 =	sshll.u32 s26, $0x1;
	_ =	strace $0x80000046;
	[dreg:$0x1] =	wrdreg $0xFFFFFFFF  }
0xa7: {  	s28 =	simm.s32 $_size_execute0_lowered;
	s2 =	sadd.s32 s2, s4;
	[dreg:$0x0] =	wrdreg $0x0  }
0xa8: {  	s4 =	sshll.u32 s28, $0x1;
	[dreg:$0x2] =	wrdreg s2  }
0xa9: {  	[dreg:$0x3] =	wrdreg s4  }
0xaa: {  	[dreg:$0x4] =	wrdreg $0xC0  }
0xab: {  	_ =	task [dreg:s6], $0x5FFFF  }
0xac: {  	[dreg:$0x1] =	wrdreg $0xFFFFFFFF  }
0xad: {  	[dreg:$0x0] =	wrdreg $0x60  }
0xae: {  	[dreg:$0x2] =	wrdreg s24  }
0xaf: {  	[dreg:$0x3] =	wrdreg $0x9  }
0xb0: {  	_ =	task.clear_ibuf [dreg:s6], $0x4FFFF;
	_ =	strace $0x90000046  }
0xb1: {  	s29 =	simm.s32 $0x9;
	_ =	strace $0x80000048  }
0xb2: {  	_ =	swait.ge [sflag:s29], $0x1  }
0xb3: {  	[sflag:s29] =	ssyncadd.s32 $0xFFFFFFFF  }
0xb4: {  	_ =	strace $0x90000048  }
0xb5: {  	_ =	sfence  }
0xb6: {  	s30 =	sld [smem:$0x0];
	_ =	sdelay $0x2  }
0xb7: {  	s31 =	sshll.u32 s1, $0xD;
	s1 =	sshrl.u32 s1, $0x2  }
0xb8: {  	s3 =	sand.u32 $0x4000, s31;
	s1 =	sadd.s32 s1, s30  }
0xb9: {  	s0 =	sor.u32 s3, s0;
	s1 =	sshll.u32 s1, $0x11  }
0xba: {  	s0 =	sor.u32 s1, s0  }
0xbb: {  	s0 =	sadd.s32 $0x8F2B, s0  }
0xbc: {  	[sflag:s0] =	ssyncadd.remote.s32 $0x1  }
0xbd: {  	_ =	sfence.sel $0xFFFF  }
0xbe: {  	[dreg:$0x0] =	wrdreg $0xFFFFFFFF;
	(pc) =	sbr.abs _section_cstart, $3  }
0xbf: {  	[dreg:$0x1] =	wrdreg $0xFFFFFFFF  }
0xc0: {  	_ =	task.clear_ibuf [dreg:s6], $0x2FFFF;
	_ =	strace $0x9FFFFFFF  }
0xc1: {  	(tm) =	ssettm $0x7FFFFFFF  }
tec
execute0_lowered:
.L_overlay_start_1:
0x0: {  	(tag) =	ssettag $0x1  }
0x1: {  	s1 =	stileid.u32  }
0x2: {  	p0 =	sgt.u32 s1, $0xB  }
.Ltmp0:
0x3: {  	_ = 	snop;
	(pc) =	sbr.rel @p0 .LBB2_7-.Ltmp0, $4  }
0x4: {  	_ = 	snop  }
0x5: {  	s2 =	simm.s32 $0x0  }
0x6: {  	[smem:$0x7FF] =	sst s2  }
0x7: {  	s0 =	rddreg [dreg:$0x0];
	_ =	strace $0x80000047  }
0x8: {  	s1 =	srdreg.scid;
	s3 =	stileid.u32  }
0x9: {  	s1 =	sand.u32 $0x1, s1;
	s3 =	sshll.u32 s3, $0x1  }
0xa: {  	s3 =	sor.u32 s1, s3  }
0xb: {  	s6 =	smul.u32 $0x56, s3  }
0xc: {  	s14 =	sadd.s32 $0x1000, s0;
	s8 =	sadd.s32 $0x11000, s0  }
0xd: {  	s19 =	sadd.s32 $0x61000, s0;
	s28 =	simm.s32 $0x18C00;
	s4 =	sshrl.u32 s6, $0x8  }
0xe: {  	s29 =	simm.s32 $0x19000;
	s30 =	simm.s32 $0x19400;
	s5 =	smul.u32 $0x3, s4  }
0xf: {  	s31 =	simm.s32 $0x400;
	s1 =	ssub.s32 $0x2, s1;
	s20 =	sshrl.u32 s6, $0xB  }
0x10: {  	s6 =	sshrl.u32 s6, $0x1;
	s17 =	sshll.u32 s4, $0x10;
	s3 =	ssub.s32 s3, s5  }
0x11: {  	s11 =	smul.u32 $0x6000, s20;
	s6 =	sand.u32 $0x380, s6;
	s7 =	sand.u32 $0xFF, s3  }
0x12: {  	s20 =	simm.s32 $0x8000;
	s18 =	sshll.u32 s7, $0x7;
	s7 =	sshll.u32 s7, $0xD  }
0x13: {  	s9 =	sor.u32 s18, s17;
	s7 =	sadd.s32 s7, s11;
	s17 =	sshrl.u32 s1, $0x1  }
0x14: {  	s18 =	simm.s32 $0x1;
	s15 =	sshrl.u32 s9, $0x3;
	s4 =	sadd.s32 $0x80000, s9  }
0x15: {  	s9 =	sadd.s32 $0x180000, s9;
	s12 =	sor.u32 s6, s7;
	s1 =	ssub.s32 s1, s17  }
0x16: {  	s17 =	simm.s32 $0x200;
	s3 =	sadd.s32 s8, s15;
	s4 =	sshrl.u32 s4, $0x3  }
0x17: {  	s10 =	sor.u32 $0x20000, s15;
	s9 =	sshrl.u32 s9, $0x3;
	s21 =	sor.u32 $0x40000, s15  }
0x18: {  	s22 =	sshrl.u32 s12, $0x3;
	s23 =	sadd.s32 $0x6000, s12;
	s24 =	sadd.s32 $0xC000, s12  }
0x19: {  	s25 =	sadd.s32 $0x12000, s12;
	s13 =	sadd.s32 $0x18000, s12;
	s16 =	sadd.s32 $0x1E000, s12  }
0x1a: {  	s14 =	sadd.s32 s14, s15;
	s15 =	smax.u32 s1, $0x1;
	s4 =	sadd.s32 s8, s4  }
0x1b: {  	s5 =	sadd.s32 s8, s10;
	s6 =	sadd.s32 s8, s9;
	s7 =	sadd.s32 s8, s21  }
0x1c: {  	s8 =	sadd.s32 s19, s22;
	s9 =	sshrl.u32 s23, $0x3;
	s10 =	sshrl.u32 s24, $0x3  }
0x1d: {  	s11 =	sshrl.u32 s25, $0x3;
	s13 =	sshrl.u32 s13, $0x3;
	s26 =	sshrl.u32 s16, $0x3  }
0x1e: {  	s16 =	simm.s32 $0x80;
	s21 =	simm.s32 $0xC000;
	s22 =	simm.s32 $0x10000  }
0x1f: {  	s23 =	simm.s32 $0x14000;
	s24 =	simm.s32 $0x18000;
	s25 =	simm.s32 $0x18400  }
0x20: {  	s9 =	sadd.s32 s19, s9;
	s10 =	sadd.s32 s19, s10;
	s11 =	sadd.s32 s19, s11  }
0x21: {  	v0 =	vimm.f32 $-1.000000000e+00;
	v1 =	vimm.s32 $0x0;
	s12 =	sadd.s32 s19, s13;
	s13 =	sadd.s32 s19, s26;
	s26 =	simm.s32 $0x18800  }
.LBB2_2:
0x22: {  	s0 =	simm.s32 $0x0  }
0x23: {  	[tilespmem:s0], [sflag:$0x1] =	stream.strided.gather [hbm4b:s14+s16], $0x4000, s17, s16, $0x38;
	[tilespmem:$0x19800] =	vst v63  }
0x24: {  	_ =	swait.ge [sflag:s18], $0x4000  }
0x25: {  	[sflag:s18] =	ssyncset.done $0x0  }
0x26: {  	s19 =	simm.s32 $0x4000;
	[sflag:s18] =	ssyncadd.s32 $0xFFFFC000  }
0x27: {  	[tilespmem:s19], [sflag:$0x1] =	stream.strided.gather [hbm4b:s3+s16], $0x4000, s17, s16, $0x38;
	[tilespmem:$0x19800] =	vst v63  }
0x28: {  	_ =	swait.ge [sflag:s18], $0x4000  }
0x29: {  	[sflag:s18] =	ssyncset.done $0x0  }
0x2a: {  	[sflag:s18] =	ssyncadd.s32 $0xFFFFC000  }
0x2b: {  	[tilespmem:s20], [sflag:$0x1] =	stream.strided.gather [hbm4b:s4+s16], $0x4000, s17, s16, $0x38;
	[tilespmem:$0x19800] =	vst v63  }
0x2c: {  	_ =	swait.ge [sflag:s18], $0x4000  }
0x2d: {  	[sflag:s18] =	ssyncset.done $0x0  }
0x2e: {  	[sflag:s18] =	ssyncadd.s32 $0xFFFFC000  }
0x2f: {  	[tilespmem:s21], [sflag:$0x1] =	stream.strided.gather [hbm4b:s5+s16], $0x4000, s17, s16, $0x38;
	[tilespmem:$0x19800] =	vst v63  }
0x30: {  	_ =	swait.ge [sflag:s18], $0x4000  }
0x31: {  	[sflag:s18] =	ssyncset.done $0x0  }
0x32: {  	[sflag:s18] =	ssyncadd.s32 $0xFFFFC000  }
0x33: {  	[tilespmem:s22], [sflag:$0x1] =	stream.strided.gather [hbm4b:s6+s16], $0x4000, s17, s16, $0x38;
	[tilespmem:$0x19800] =	vst v63  }
0x34: {  	_ =	swait.ge [sflag:s18], $0x4000  }
0x35: {  	[sflag:s18] =	ssyncset.done $0x0  }
0x36: {  	[sflag:s18] =	ssyncadd.s32 $0xFFFFC000  }
0x37: {  	[tilespmem:s23], [sflag:$0x1] =	stream.strided.gather [hbm4b:s7+s16], $0x4000, s17, s16, $0x38;
	[tilespmem:$0x19800] =	vst v63  }
0x38: {  	_ =	swait.ge [sflag:s18], $0x4000  }
0x39: {  	[sflag:s18] =	ssyncset.done $0x0  }
0x3a: {  	s0 =	simm.s32 $0x0;
	[sflag:s18] =	ssyncadd.s32 $0xFFFFC000  }
0x3b: {  	[tilespmem:s0+$0x19400] =	vst v0  }
0x3c: {  	[tilespmem:s0+$0x18000] =	vst v0  }
0x3d: {  	[tilespmem:s0+$0x18400] =	vst v0  }
0x3e: {  	[tilespmem:s0+$0x18800] =	vst v0  }
0x3f: {  	s1 =	simm.s32 $0x40;
	[tilespmem:s0+$0x18C00] =	vst v0  }
.LBB2_3:
0x40: {  	p0 =	sne.s32 s1, $0xFC0;
	[tilespmem:s0+$0x19000] =	vst v0;
	s0 =	sshra.s32 s1, $0x2;
	s1 =	sadd.s32 $0x40, s1  }
.Ltmp1:
0x41: {  	[tilespmem:s0+$0x19400] =	vst v0;
	(pc) =	sbr.rel @p0 .LBB2_3-.Ltmp1, $4  }
0x42: {  	[tilespmem:s0+$0x18000] =	vst v0  }
0x43: {  	[tilespmem:s0+$0x18400] =	vst v0  }
0x44: {  	[tilespmem:s0+$0x18800] =	vst v0  }
0x45: {  	[tilespmem:s0+$0x18C00] =	vst v0  }
0x46: {  	[tilespmem:s0+$0x19000] =	vst v0;
	s19 =	simm.s32 $0x0  }
0x47: {  	v2 =	vld [tilespmem:s19+$0x0];
	_ =	sdelay $0x4  }
0x48: {  	vm0 =	vgt.f32 v2, $0.0e+00  }
0x49: {  	v3 =	vsel vm0, $0x1, v1  }
0x4a: {  	(xrf0) =	vadd.scan.msk.s32 $0xffff, v3;
	_ =	sdelay $0x5  }
0x4b: {  	v3 =	vimm.s32 $0x0;
	v4, _, _ =	vpop (xrf0)  }
0x4c: {  	v4 =	vadd.s32 v4, v3  }
0x4d: {  	v4 =	vadd.s32 $0xFFFFFFFF, v4;
	_ =	sdelay $0x4  }
0x4e: {  	[tilespmem:v4+s24+$0x0] =	vst.idx.msk vm0, v2  }
0x4f: {  	v2 =	vld [tilespmem:s19+$0x4000];
	_ =	sdelay $0x4  }
0x50: {  	[tilespmem:v4+s25+$0x0] =	vst.idx.msk vm0, v2  }
0x51: {  	v2 =	vld [tilespmem:s19+$0x8000];
	_ =	sdelay $0x4  }
0x52: {  	[tilespmem:v4+s26+$0x0] =	vst.idx.msk vm0, v2  }
0x53: {  	v2 =	vld [tilespmem:s19+$0xC000];
	_ =	sdelay $0x4  }
0x54: {  	[tilespmem:v4+s28+$0x0] =	vst.idx.msk vm0, v2  }
0x55: {  	v2 =	vld [tilespmem:s19+$0x10000];
	_ =	sdelay $0x2  }
0x56: {  	v5 =	vmpcnt.ones.xlane vm0;
	_ =	sdelay $0x1  }
0x57: {  	v3 =	vadd.s32 v3, v5;
	[tilespmem:v4+s29+$0x0] =	vst.idx.msk vm0, v2  }
0x58: {  	s0 =	simm.s32 $0x40;
	s1 =	simm.s32 $0x80;
	v2 =	vmov v3;
	v5 =	vld [tilespmem:s19+$0x14000]  }
.LBB2_5:
0x59: {  	_ =	sdelay $0x2  }
0x5a: {  	p0 =	sne.s32 s1, $0xFFC0  }
0x5b: {  	s19 =	sshra.s32 s0, $0x2;
	s0 =	smov.u32 s1;
	s1 =	sadd.s32 $0x40, s1;
	[tilespmem:v4+s30+$0x0] =	vst.idx.msk vm0, v5  }
0x5c: {  	v5 =	vld [tilespmem:s19+$0x0];
	_ =	sdelay $0x4  }
0x5d: {  	vm0 =	vgt.f32 v5, $0.0e+00  }
0x5e: {  	v4 =	vsel vm0, $0x1, v1;
	v6 =	vmpcnt.ones.xlane vm0  }
0x5f: {  	(xrf0) =	vadd.scan.msk.s32 $0xffff, v4  }
0x60: {  	v3 =	vadd.s32 v3, v6;
	_ =	sdelay $0x4  }
0x61: {  	v4, _, _ =	vpop (xrf0)  }
0x62: {  	v4 =	vadd.s32 v4, v2;
	v2 =	vmov v3  }
0x63: {  	v4 =	vadd.s32 $0xFFFFFFFF, v4;
	_ =	sdelay $0x4  }
0x64: {  	[tilespmem:v4+s24+$0x0] =	vst.idx.msk vm0, v5  }
0x65: {  	v5 =	vld [tilespmem:s19+$0x4000];
	_ =	sdelay $0x4  }
0x66: {  	[tilespmem:v4+s25+$0x0] =	vst.idx.msk vm0, v5  }
0x67: {  	v5 =	vld [tilespmem:s19+$0x8000];
	_ =	sdelay $0x4  }
0x68: {  	[tilespmem:v4+s26+$0x0] =	vst.idx.msk vm0, v5  }
0x69: {  	v5 =	vld [tilespmem:s19+$0xC000];
	_ =	sdelay $0x4  }
0x6a: {  	[tilespmem:v4+s28+$0x0] =	vst.idx.msk vm0, v5  }
0x6b: {  	v5 =	vld [tilespmem:s19+$0x10000];
	_ =	sdelay $0x1  }
.Ltmp2:
0x6c: {  	(pc) =	sbr.rel @p0 .LBB2_5-.Ltmp2, $3  }
0x6d: {  	_ =	sdelay $0x1  }
0x6e: {  	[tilespmem:v4+s29+$0x0] =	vst.idx.msk vm0, v5  }
0x6f: {  	v5 =	vld [tilespmem:s19+$0x14000]  }
0x70: {  	_ =	sdelay $0x4  }
0x71: {  	s0 =	sshra.s32 s0, $0x2;
	[tilespmem:v4+s30+$0x0] =	vst.idx.msk vm0, v5  }
0x72: {  	v3 =	vld [tilespmem:s0+$0x0];
	_ =	sdelay $0x4  }
0x73: {  	vm15 =	vgt.f32 v3, $0.0e+00  }
0x74: {  	v63 =	vsel vm15, $0x1, v1  }
0x75: {  	(xrf0) =	vadd.scan.msk.s32 $0xffff, v63;
	_ =	sdelay $0x5  }
0x76: {  	v4, _, _ =	vpop (xrf0)  }
0x77: {  	v2 =	vadd.s32 v4, v2  }
0x78: {  	v2 =	vadd.s32 $0xFFFFFFFF, v2;
	_ =	sdelay $0x4  }
0x79: {  	[tilespmem:v2+s24+$0x0] =	vst.idx.msk vm15, v3  }
0x7a: {  	v3 =	vld [tilespmem:s0+$0x4000];
	_ =	sdelay $0x4  }
0x7b: {  	[tilespmem:v2+s25+$0x0] =	vst.idx.msk vm15, v3  }
0x7c: {  	v3 =	vld [tilespmem:s0+$0x8000];
	_ =	sdelay $0x4  }
0x7d: {  	[tilespmem:v2+s26+$0x0] =	vst.idx.msk vm15, v3  }
0x7e: {  	v3 =	vld [tilespmem:s0+$0xC000];
	_ =	sdelay $0x4  }
0x7f: {  	[tilespmem:v2+s28+$0x0] =	vst.idx.msk vm15, v3  }
0x80: {  	v3 =	vld [tilespmem:s0+$0x10000];
	_ =	sdelay $0x4  }
0x81: {  	[tilespmem:v2+s29+$0x0] =	vst.idx.msk vm15, v3  }
0x82: {  	v3 =	vld [tilespmem:s0+$0x14000];
	_ =	sdelay $0x4  }
0x83: {  	[tilespmem:v2+s30+$0x0] =	vst.idx.msk vm15, v3  }
0x84: {  	[hbm4b:s8+s16] =	stream.strided.scatter [tilespmem:s24], [sflag:$0x1], $0x400, s31, s16, $0x38;
	[tilespmem:$0x19800] =	vst v63  }
0x85: {  	_ =	swait.ge [sflag:s18], $0x400  }
0x86: {  	[sflag:s18] =	ssyncset.done $0x0  }
0x87: {  	[sflag:s18] =	ssyncadd.s32 $0xFFFFFC00  }
0x88: {  	[hbm4b:s9+s16] =	stream.strided.scatter [tilespmem:s25], [sflag:$0x1], $0x400, s31, s16, $0x38;
	[tilespmem:$0x19800] =	vst v63  }
0x89: {  	_ =	swait.ge [sflag:s18], $0x400  }
0x8a: {  	[sflag:s18] =	ssyncset.done $0x0  }
0x8b: {  	[sflag:s18] =	ssyncadd.s32 $0xFFFFFC00  }
0x8c: {  	[hbm4b:s10+s16] =	stream.strided.scatter [tilespmem:s26], [sflag:$0x1], $0x400, s31, s16, $0x38;
	[tilespmem:$0x19800] =	vst v63  }
0x8d: {  	_ =	swait.ge [sflag:s18], $0x400  }
0x8e: {  	[sflag:s18] =	ssyncset.done $0x0  }
0x8f: {  	[sflag:s18] =	ssyncadd.s32 $0xFFFFFC00  }
0x90: {  	[hbm4b:s11+s16] =	stream.strided.scatter [tilespmem:s28], [sflag:$0x1], $0x400, s31, s16, $0x38;
	[tilespmem:$0x19800] =	vst v63  }
0x91: {  	_ =	swait.ge [sflag:s18], $0x400  }
0x92: {  	[sflag:s18] =	ssyncset.done $0x0  }
0x93: {  	[sflag:s18] =	ssyncadd.s32 $0xFFFFFC00  }
0x94: {  	[hbm4b:s12+s16] =	stream.strided.scatter [tilespmem:s29], [sflag:$0x1], $0x400, s31, s16, $0x38;
	[tilespmem:$0x19800] =	vst v63  }
0x95: {  	s2 =	sadd.s32 $0x1, s2;
	_ =	swait.ge [sflag:s18], $0x400  }
0x96: {  	p0 =	sne.s32 s2, s15;
	[sflag:s18] =	ssyncset.done $0x0  }
.Ltmp3:
0x97: {  	[sflag:s18] =	ssyncadd.s32 $0xFFFFFC00;
	(pc) =	sbr.rel @p0 .LBB2_2-.Ltmp3, $4  }
0x98: {  	[hbm4b:s13+s16] =	stream.strided.scatter [tilespmem:s30], [sflag:$0x1], $0x400, s31, s16, $0x38;
	[tilespmem:$0x19800] =	vst v63  }
0x99: {  	_ =	swait.ge [sflag:s18], $0x400  }
0x9a: {  	[sflag:s18] =	ssyncset.done $0x0  }
0x9b: {  	[sflag:s18] =	ssyncadd.s32 $0xFFFFFC00  }
.LBB2_7:
0x9c: {  	_ =	sfence.sel $0x180000  }
0x9d: {  	[bflag:$0x0] =	sbarrier.arrive $0xFFFF  }
0x9e: {  	_ =	strace $0x90000047  }
0x9f: {  	s0 =	stileid.u32;
	[bflag:$0x2] =	sbarrier.arrive $0xFFFF  }
0xa0: {  	p0 =	sne.s32 s0, $0x0;
	s0 =	rddreg [dreg:$0x1]  }
0xa1: {  	s0 =	sadd.s32 @!p0 $0x100000, s0  }
0xa2: {  	[sflag:s0] =	ssyncadd.tile.s32 @!p0 $0x1;
	_ =	shalt  }
.Lfunc_end2:
_tile_overlayer_lowered:
.L_overlay_start_2:
0xa3: {  	(tag) =	ssettag $0x2  }
0xa4: {  	s0 =	rddreg [dreg:$0x0];
	s2 =	stileid.u32  }
0xa5: {  	s1 =	rddreg [dreg:$0x1];
	p0 =	sne.s32 s2, $0x0  }
0xa6: {  	s3 =	rddreg [dreg:$0x2];
	[bflag:$0x3] =	sbarrier.arrive $0xFFFF;
	s2 =	simm.s32 @!p0 $0x1C01  }
0xa7: {  	[timem:s3], [sflag:s2] =	dma.local @!p0 [hbm:s0], s1  }
0xa8: {  	s0 =	simm.s32 @!p0 $0x1  }
0xa9: {  	_ =	swait.ge @!p0 [sflag:s0], s1  }
0xaa: {  	s1 =	ssub.s32 @!p0 $0x0, s1;
	[sflag:s0] =	ssyncset.done @!p0 $0x0  }
0xab: {  	[sflag:s0] =	ssyncadd.s32 @!p0 s1  }
0xac: {  	[bflag:$0x3] =	sbarrier.arrive $0xFFFF  }
0xad: {  	_ =	shalt  }

</sc_bundles>
